<compile_context>
chip_gen: v7x
topology: tpu7x:2x2x1
jax: 0.10.2.dev20260603
libtpu: 0.0.44.dev20260713+nightly
codegen_flags: <defaults>
</compile_context>

<pallas_src>
import dataclasses
import functools

import jax
import jax.numpy as jnp
from jax import lax
from jax.experimental import pallas as pl
from jax.experimental.pallas import tpu as pltpu
from jax.experimental.pallas import tpu_sc as plsc

M = 2048
BATCH_BLOCK = 256
NW = 32
SC_ROWS = 1024


def _tc_body(h_ref, sign_ref, x_ref, out_ref, s_scratch):
    d = h_ref.shape[0]
    step = pl.program_id(0)

    @pl.when(step == 0)
    def _build():
        bins = jax.lax.broadcasted_iota(jnp.int32, (d, M), 1)
        onehot = jnp.where(h_ref[...] == bins, sign_ref[...], 0.0)
        s_scratch[...] = onehot.astype(jnp.bfloat16)

    @pl.when(step > 0)
    def _dot():
        out_ref[...] = jnp.dot(
            x_ref[...].astype(jnp.bfloat16),
            s_scratch[...],
            preferred_element_type=jnp.float32,
        )


def _tc_countsketch(x, h2, sign2, rows):
    batch, d = x.shape
    nb = rows // BATCH_BLOCK
    blk = lambda b: jnp.maximum(b - 1, 0)
    return pl.pallas_call(
        _tc_body,
        grid=(nb + 1,),
        in_specs=[
            pl.BlockSpec((d, 1), lambda b: (0, 0)),
            pl.BlockSpec((d, 1), lambda b: (0, 0)),
            pl.BlockSpec((BATCH_BLOCK, d), lambda b: (blk(b), 0)),
        ],
        out_specs=pl.BlockSpec((BATCH_BLOCK, M), lambda b: (blk(b), 0)),
        out_shape=jax.ShapeDtypeStruct((batch, M), x.dtype),
        scratch_shapes=[pltpu.VMEM((d, M), jnp.bfloat16)],
        compiler_params=pltpu.CompilerParams(
            dimension_semantics=("arbitrary",),
        ),
    )(h2, sign2, x)


ROWS_PER_CHUNK = 8


def _sc_body(x_hbm, h_hbm, sign_hbm, out_hbm, h_v, sign_v, xa_v, xb_v, acc_v,
             sem_a, sem_b):
    d = h_hbm.shape[0]
    wid = lax.axis_index("s") * 2 + lax.axis_index("c")
    rows_per_w = SC_ROWS // NW
    n_chunks = rows_per_w // ROWS_PER_CHUNK
    row0 = x_hbm.shape[0] - SC_ROWS
    base_in = row0 + wid * rows_per_w
    base_out = wid * rows_per_w

    pltpu.sync_copy(h_hbm, h_v)
    pltpu.sync_copy(sign_hbm, sign_v)

    bufs = (xa_v, xb_v)
    sems = (sem_a, sem_b)

    def start(t):
        return pltpu.async_copy(
            x_hbm.at[pl.ds(base_in + t * ROWS_PER_CHUNK, ROWS_PER_CHUNK)],
            bufs[t % 2],
            sems[t % 2],
        )

    handles = {0: start(0)}
    for t in range(n_chunks):
        if t + 1 < n_chunks:
            handles[t + 1] = start(t + 1)
        handles[t].wait()
        xbuf = bufs[t % 2]

        @pl.loop(0, M, step=16)
        def _zero(i):
            z = jnp.zeros((16,), jnp.float32)
            for r in range(ROWS_PER_CHUNK):
                acc_v[r, pl.ds(i, 16)] = z

        @pl.loop(0, d, step=16)
        def _grp(g):
            idx = h_v[pl.ds(g, 16)]
            sgn = sign_v[pl.ds(g, 16)]
            for r in range(ROWS_PER_CHUNK):
                v = xbuf[r, pl.ds(g, 16)] * sgn
                row_idx = jnp.full((16,), r, jnp.int32)
                plsc.addupdate_scatter(acc_v, [row_idx, idx], v)

        pltpu.sync_copy(
            acc_v,
            out_hbm.at[pl.ds(base_out + t * ROWS_PER_CHUNK, ROWS_PER_CHUNK)],
        )


def _sc_countsketch(x, h32, sign):
    batch, d = x.shape
    mesh = plsc.VectorSubcoreMesh(core_axis_name="c", subcore_axis_name="s")
    cp = pltpu.CompilerParams()
    if "needs_layout_passes" in pltpu.CompilerParams.__dataclass_fields__:
        cp = dataclasses.replace(cp, needs_layout_passes=False)
    f = functools.partial(
        pl.kernel,
        out_type=jax.ShapeDtypeStruct((SC_ROWS, M), jnp.float32),
        mesh=mesh,
        compiler_params=cp,
        scratch_types=[
            pltpu.VMEM((d,), jnp.int32),
            pltpu.VMEM((d,), jnp.float32),
            pltpu.VMEM((ROWS_PER_CHUNK, d), jnp.float32),
            pltpu.VMEM((ROWS_PER_CHUNK, d), jnp.float32),
            pltpu.VMEM((ROWS_PER_CHUNK, M), jnp.float32),
            pltpu.SemaphoreType.DMA,
            pltpu.SemaphoreType.DMA,
        ],
    )(_sc_body)
    return f(x, h32, sign)


def kernel(x, h, sign):
    batch, d = x.shape
    h32 = h.astype(jnp.int32)
    sc_out = _sc_countsketch(x, h32, sign) if SC_ROWS > 0 else None
    tc_out = None
    if SC_ROWS < batch:
        h2 = h32.reshape(d, 1)
        sign2 = sign.reshape(d, 1)
        tc_out = _tc_countsketch(x, h2, sign2, batch - SC_ROWS)
    if sc_out is None:
        return tc_out
    if tc_out is None:
        return sc_out
    return lax.dynamic_update_slice(tc_out, sc_out, (batch - SC_ROWS, 0))

# --- scband reference (transcript-rebuilt; emitter-appended) ---
"""Pipeline reference for scband-count-sketch-71433896067310 (READ-ONLY COPY).

The authoritative reference and input builder live on the scoring server;
editing this copy changes nothing except your own understanding.
"""

import jax, jax.numpy as jnp
import numpy as np

D = 4096
M = 2048
BATCH = 4096

def setup_inputs(seed: int = 0):
    key = jax.random.key(seed)
    kx, kh, ks = jax.random.split(key, 3)
    x = jax.random.normal(kx, (BATCH, D), dtype=jnp.float32)
    h = jax.random.randint(kh, (D,), 0, M).astype(jnp.int64)
    sign = (jax.random.randint(ks, (D,), 0, 2) * 2 - 1).astype(jnp.float32)
    return {"x": x, "h": h, "sign": sign}

def reference(x, h, sign):
    # CountSketch: out[..., h[j]] += sign[j] * x[..., j]
    val = sign * x
    out = jnp.zeros(x.shape[:-1] + (M,), dtype=x.dtype)
    out = out.at[..., h].add(val)
    return out

if __name__ == "__main__":
    import jax
    _d = setup_inputs()
    print(jax.jit(kernel)(*tuple(_d.values())))

</pallas_src>

<mosaic_0001>
#map = affine_map<(d0, d1) -> (0, 0)>
#map1 = affine_map<(d0, d1) -> (0)>
module attributes {stable_mosaic.version = 14 : i64} {
  func.func @_sc_body(%arg0: i32, %arg1: i32, %arg2: memref<4096x4096xf32, #tpu.memory_space<hbm>>, %arg3: memref<4096xi32, #tpu.memory_space<hbm>>, %arg4: memref<4096xf32, #tpu.memory_space<hbm>>, %arg5: memref<1024x2048xf32, #tpu.memory_space<hbm>>, %arg6: memref<4096xi32, #tpu.memory_space<vmem>>, %arg7: memref<4096xf32, #tpu.memory_space<vmem>>, %arg8: memref<8x4096xf32, #tpu.memory_space<vmem>>, %arg9: memref<8x4096xf32, #tpu.memory_space<vmem>>, %arg10: memref<8x2048xf32, #tpu.memory_space<vmem>>, %arg11: memref<!tpu.dma_semaphore, #tpu.memory_space<semaphore_mem>>, %arg12: memref<!tpu.dma_semaphore, #tpu.memory_space<semaphore_mem>>) attributes {dimension_semantics = [#tpu.dimension_semantics<core_parallel>, #tpu.dimension_semantics<subcore_parallel>], iteration_bounds = array<i64: 2, 16>, scalar_prefetch = 0 : i64, scratch_operands = 7 : i64, tpu.core_type = #tpu.core_type<sc_vector_subcore>, window_params = [{transform_indices = #map}, {transform_indices = #map1}, {transform_indices = #map1}, {transform_indices = #map}]} {
    %mul3A = arith.constant 2 : i32
    %mul3A_0 = arith.muli %arg1, %mul3A : i32
    %add3A = arith.addi %mul3A_0, %arg0 : i32
    %mul3A_1 = arith.constant 32 : i32
    %mul3A_2 = arith.muli %add3A, %mul3A_1 : i32
    %add3A_3 = arith.constant 3072 : i32
    %add3A_4 = arith.addi %add3A_3, %mul3A_2 : i32
    %mul3A_5 = arith.constant 32 : i32
    %mul3A_6 = arith.muli %add3A, %mul3A_5 : i32
    "tpu.region"() ({
      %run_scoped3A = tpu.sem_alloc : memref<!tpu.dma_semaphore, #tpu.memory_space<semaphore_mem>>
      tpu.enqueue_dma source(%arg3 : memref<4096xi32, #tpu.memory_space<hbm>>) target(%arg6 : memref<4096xi32, #tpu.memory_space<vmem>>) target_semaphore(%run_scoped3A : memref<!tpu.dma_semaphore, #tpu.memory_space<semaphore_mem>>)
      tpu.wait_dma2 semaphore(%run_scoped3A : memref<!tpu.dma_semaphore, #tpu.memory_space<semaphore_mem>>) src(%arg3 : memref<4096xi32, #tpu.memory_space<hbm>>) dst(%arg6 : memref<4096xi32, #tpu.memory_space<vmem>>)
      tpu.yield
    }) : () -> ()
    "tpu.region"() ({
      %run_scoped3A = tpu.sem_alloc : memref<!tpu.dma_semaphore, #tpu.memory_space<semaphore_mem>>
      tpu.enqueue_dma source(%arg4 : memref<4096xf32, #tpu.memory_space<hbm>>) target(%arg7 : memref<4096xf32, #tpu.memory_space<vmem>>) target_semaphore(%run_scoped3A : memref<!tpu.dma_semaphore, #tpu.memory_space<semaphore_mem>>)
      tpu.wait_dma2 semaphore(%run_scoped3A : memref<!tpu.dma_semaphore, #tpu.memory_space<semaphore_mem>>) src(%arg4 : memref<4096xf32, #tpu.memory_space<hbm>>) dst(%arg7 : memref<4096xf32, #tpu.memory_space<vmem>>)
      tpu.yield
    }) : () -> ()
    %add3A_7 = arith.constant 0 : i32
    %add3A_8 = arith.addi %add3A_4, %add3A_7 : i32
    %dma_start3A = arith.constant 0 : i32
    %dma_start3A_9 = tpu.memref_slice %arg2[%add3A_8, %dma_start3A] : memref<4096x4096xf32, #tpu.memory_space<hbm>> -> memref<8x4096xf32, #tpu.memory_space<hbm>>
    %dma_start3A_10 = arith.constant 0 : i32
    %dma_start3A_11 = tpu.memref_slice %arg2[%add3A_8, %dma_start3A_10] : memref<4096x4096xf32, #tpu.memory_space<hbm>> -> memref<8x4096xf32, #tpu.memory_space<hbm>>
    tpu.enqueue_dma source(%dma_start3A_11 : memref<8x4096xf32, #tpu.memory_space<hbm>>) target(%arg8 : memref<8x4096xf32, #tpu.memory_space<vmem>>) target_semaphore(%arg11 : memref<!tpu.dma_semaphore, #tpu.memory_space<semaphore_mem>>)
    %add3A_12 = arith.constant 8 : i32
    %add3A_13 = arith.addi %add3A_4, %add3A_12 : i32
    %dma_start3A_14 = arith.constant 0 : i32
    %dma_start3A_15 = tpu.memref_slice %arg2[%add3A_13, %dma_start3A_14] : memref<4096x4096xf32, #tpu.memory_space<hbm>> -> memref<8x4096xf32, #tpu.memory_space<hbm>>
    %dma_start3A_16 = arith.constant 0 : i32
    %dma_start3A_17 = tpu.memref_slice %arg2[%add3A_13, %dma_start3A_16] : memref<4096x4096xf32, #tpu.memory_space<hbm>> -> memref<8x4096xf32, #tpu.memory_space<hbm>>
    tpu.enqueue_dma source(%dma_start3A_17 : memref<8x4096xf32, #tpu.memory_space<hbm>>) target(%arg9 : memref<8x4096xf32, #tpu.memory_space<vmem>>) target_semaphore(%arg12 : memref<!tpu.dma_semaphore, #tpu.memory_space<semaphore_mem>>)
    %dma_wait3A = arith.constant 0 : i32
    %dma_wait3A_18 = tpu.memref_slice %arg2[%add3A_8, %dma_wait3A] : memref<4096x4096xf32, #tpu.memory_space<hbm>> -> memref<8x4096xf32, #tpu.memory_space<hbm>>
    %dma_wait3A_19 = arith.constant 0 : i32
    %dma_wait3A_20 = tpu.memref_slice %arg2[%add3A_8, %dma_wait3A_19] : memref<4096x4096xf32, #tpu.memory_space<hbm>> -> memref<8x4096xf32, #tpu.memory_space<hbm>>
    tpu.wait_dma2 semaphore(%arg11 : memref<!tpu.dma_semaphore, #tpu.memory_space<semaphore_mem>>) src(%dma_wait3A_20 : memref<8x4096xf32, #tpu.memory_space<hbm>>) dst(%arg8 : memref<8x4096xf32, #tpu.memory_space<vmem>>)
    %scan3A = arith.constant 0 : i32
    %scan3A_21 = arith.constant 128 : i32
    %scan3A_22 = arith.addi %scan3A, %scan3A_21 : i32
    %scan3A_23 = arith.constant 1 : i32
    scf.for %scan3A_92 = %scan3A to %scan3A_22 step %scan3A_23  : i32 {
      %mul3A_93 = arith.constant 16 : i32
      %mul3A_94 = arith.muli %scan3A_92, %mul3A_93 : i32
      %add3A_95 = arith.constant 0 : i32
      %add3A_96 = arith.addi %add3A_95, %mul3A_94 : i32
      %broadcast_in_dim3A = arith.constant 0.000000e+00 : f32
      %broadcast_in_dim3A_97 = vector.broadcast %broadcast_in_dim3A : f32 to vector<16xf32>
      %swap3A = arith.constant 0 : i32
      %swap3A_98 = arith.index_cast %swap3A : i32 to index
      %swap3A_99 = arith.index_cast %add3A_96 : i32 to index
      %swap3A_100 = tpu.vector_load %arg10[%swap3A_98, %swap3A_99] {strides = array<i32>} : memref<8x2048xf32, #tpu.memory_space<vmem>>, vector<16xf32>,
      tpu.vector_store %arg10[%swap3A_98, %swap3A_99], %broadcast_in_dim3A_97 {strides = array<i32>} : memref<8x2048xf32, #tpu.memory_space<vmem>>, vector<16xf32>,
      %swap3A_101 = arith.constant 1 : i32
      %swap3A_102 = arith.index_cast %swap3A_101 : i32 to index
      %swap3A_103 = arith.index_cast %add3A_96 : i32 to index
      %swap3A_104 = tpu.vector_load %arg10[%swap3A_102, %swap3A_103] {strides = array<i32>} : memref<8x2048xf32, #tpu.memory_space<vmem>>, vector<16xf32>,
      tpu.vector_store %arg10[%swap3A_102, %swap3A_103], %broadcast_in_dim3A_97 {strides = array<i32>} : memref<8x2048xf32, #tpu.memory_space<vmem>>, vector<16xf32>,
      %swap3A_105 = arith.constant 2 : i32
      %swap3A_106 = arith.index_cast %swap3A_105 : i32 to index
      %swap3A_107 = arith.index_cast %add3A_96 : i32 to index
      %swap3A_108 = tpu.vector_load %arg10[%swap3A_106, %swap3A_107] {strides = array<i32>} : memref<8x2048xf32, #tpu.memory_space<vmem>>, vector<16xf32>,
      tpu.vector_store %arg10[%swap3A_106, %swap3A_107], %broadcast_in_dim3A_97 {strides = array<i32>} : memref<8x2048xf32, #tpu.memory_space<vmem>>, vector<16xf32>,
      %swap3A_109 = arith.constant 3 : i32
      %swap3A_110 = arith.index_cast %swap3A_109 : i32 to index
      %swap3A_111 = arith.index_cast %add3A_96 : i32 to index
      %swap3A_112 = tpu.vector_load %arg10[%swap3A_110, %swap3A_111] {strides = array<i32>} : memref<8x2048xf32, #tpu.memory_space<vmem>>, vector<16xf32>,
      tpu.vector_store %arg10[%swap3A_110, %swap3A_111], %broadcast_in_dim3A_97 {strides = array<i32>} : memref<8x2048xf32, #tpu.memory_space<vmem>>, vector<16xf32>,
      %swap3A_113 = arith.constant 4 : i32
      %swap3A_114 = arith.index_cast %swap3A_113 : i32 to index
      %swap3A_115 = arith.index_cast %add3A_96 : i32 to index
      %swap3A_116 = tpu.vector_load %arg10[%swap3A_114, %swap3A_115] {strides = array<i32>} : memref<8x2048xf32, #tpu.memory_space<vmem>>, vector<16xf32>,
      tpu.vector_store %arg10[%swap3A_114, %swap3A_115], %broadcast_in_dim3A_97 {strides = array<i32>} : memref<8x2048xf32, #tpu.memory_space<vmem>>, vector<16xf32>,
      %swap3A_117 = arith.constant 5 : i32
      %swap3A_118 = arith.index_cast %swap3A_117 : i32 to index
      %swap3A_119 = arith.index_cast %add3A_96 : i32 to index
      %swap3A_120 = tpu.vector_load %arg10[%swap3A_118, %swap3A_119] {strides = array<i32>} : memref<8x2048xf32, #tpu.memory_space<vmem>>, vector<16xf32>,
      tpu.vector_store %arg10[%swap3A_118, %swap3A_119], %broadcast_in_dim3A_97 {strides = array<i32>} : memref<8x2048xf32, #tpu.memory_space<vmem>>, vector<16xf32>,
      %swap3A_121 = arith.constant 6 : i32
      %swap3A_122 = arith.index_cast %swap3A_121 : i32 to index
      %swap3A_123 = arith.index_cast %add3A_96 : i32 to index
      %swap3A_124 = tpu.vector_load %arg10[%swap3A_122, %swap3A_123] {strides = array<i32>} : memref<8x2048xf32, #tpu.memory_space<vmem>>, vector<16xf32>,
      tpu.vector_store %arg10[%swap3A_122, %swap3A_123], %broadcast_in_dim3A_97 {strides = array<i32>} : memref<8x2048xf32, #tpu.memory_space<vmem>>, vector<16xf32>,
      %swap3A_125 = arith.constant 7 : i32
      %swap3A_126 = arith.index_cast %swap3A_125 : i32 to index
      %swap3A_127 = arith.index_cast %add3A_96 : i32 to index
      %swap3A_128 = tpu.vector_load %arg10[%swap3A_126, %swap3A_127] {strides = array<i32>} : memref<8x2048xf32, #tpu.memory_space<vmem>>, vector<16xf32>,
      tpu.vector_store %arg10[%swap3A_126, %swap3A_127], %broadcast_in_dim3A_97 {strides = array<i32>} : memref<8x2048xf32, #tpu.memory_space<vmem>>, vector<16xf32>,
    }
    %scan3A_24 = arith.constant 128 : i32
    %scan3A_25 = arith.constant 0 : i32
    %scan3A_26 = arith.constant 256 : i32
    %scan3A_27 = arith.addi %scan3A_25, %scan3A_26 : i32
    %scan3A_28 = arith.constant 1 : i32
    scf.for %scan3A_92 = %scan3A_25 to %scan3A_27 step %scan3A_28  : i32 {
      %mul3A_93 = arith.constant 16 : i32
      %mul3A_94 = arith.muli %scan3A_92, %mul3A_93 : i32
      %add3A_95 = arith.constant 0 : i32
      %add3A_96 = arith.addi %add3A_95, %mul3A_94 : i32
      %get3A = arith.index_cast %add3A_96 : i32 to index
      %get3A_97 = tpu.vector_load %arg6[%get3A] {strides = array<i32>} : memref<4096xi32, #tpu.memory_space<vmem>>, vector<16xi32>,
      %get3A_98 = arith.index_cast %add3A_96 : i32 to index
      %get3A_99 = tpu.vector_load %arg7[%get3A_98] {strides = array<i32>} : memref<4096xf32, #tpu.memory_space<vmem>>, vector<16xf32>,
      %get3A_100 = arith.constant 0 : i32
      %get3A_101 = arith.index_cast %get3A_100 : i32 to index
      %get3A_102 = arith.index_cast %add3A_96 : i32 to index
      %get3A_103 = tpu.vector_load %arg8[%get3A_101, %get3A_102] {strides = array<i32>} : memref<8x4096xf32, #tpu.memory_space<vmem>>, vector<16xf32>,
      %mul3A_104 = arith.mulf %get3A_103, %get3A_99 : vector<16xf32>
      %broadcast_in_dim3A = arith.constant 0 : i32
      %broadcast_in_dim3A_105 = vector.broadcast %broadcast_in_dim3A : i32 to vector<16xi32>
      tpu.vector_store_idx %arg10[%broadcast_in_dim3A_105, %get3A_97], %mul3A_104 {add = true} : memref<8x2048xf32, #tpu.memory_space<vmem>>[vector<16xi32>, vector<16xi32>], vector<16xf32>,
      %get3A_106 = arith.constant 1 : i32
      %get3A_107 = arith.index_cast %get3A_106 : i32 to index
      %get3A_108 = arith.index_cast %add3A_96 : i32 to index
      %get3A_109 = tpu.vector_load %arg8[%get3A_107, %get3A_108] {strides = array<i32>} : memref<8x4096xf32, #tpu.memory_space<vmem>>, vector<16xf32>,
      %mul3A_110 = arith.mulf %get3A_109, %get3A_99 : vector<16xf32>
      %broadcast_in_dim3A_111 = arith.constant 1 : i32
      %broadcast_in_dim3A_112 = vector.broadcast %broadcast_in_dim3A_111 : i32 to vector<16xi32>
      tpu.vector_store_idx %arg10[%broadcast_in_dim3A_112, %get3A_97], %mul3A_110 {add = true} : memref<8x2048xf32, #tpu.memory_space<vmem>>[vector<16xi32>, vector<16xi32>], vector<16xf32>,
      %get3A_113 = arith.constant 2 : i32
      %get3A_114 = arith.index_cast %get3A_113 : i32 to index
      %get3A_115 = arith.index_cast %add3A_96 : i32 to index
      %get3A_116 = tpu.vector_load %arg8[%get3A_114, %get3A_115] {strides = array<i32>} : memref<8x4096xf32, #tpu.memory_space<vmem>>, vector<16xf32>,
      %mul3A_117 = arith.mulf %get3A_116, %get3A_99 : vector<16xf32>
      %broadcast_in_dim3A_118 = arith.constant 2 : i32
      %broadcast_in_dim3A_119 = vector.broadcast %broadcast_in_dim3A_118 : i32 to vector<16xi32>
      tpu.vector_store_idx %arg10[%broadcast_in_dim3A_119, %get3A_97], %mul3A_117 {add = true} : memref<8x2048xf32, #tpu.memory_space<vmem>>[vector<16xi32>, vector<16xi32>], vector<16xf32>,
      %get3A_120 = arith.constant 3 : i32
      %get3A_121 = arith.index_cast %get3A_120 : i32 to index
      %get3A_122 = arith.index_cast %add3A_96 : i32 to index
      %get3A_123 = tpu.vector_load %arg8[%get3A_121, %get3A_122] {strides = array<i32>} : memref<8x4096xf32, #tpu.memory_space<vmem>>, vector<16xf32>,
      %mul3A_124 = arith.mulf %get3A_123, %get3A_99 : vector<16xf32>
      %broadcast_in_dim3A_125 = arith.constant 3 : i32
      %broadcast_in_dim3A_126 = vector.broadcast %broadcast_in_dim3A_125 : i32 to vector<16xi32>
      tpu.vector_store_idx %arg10[%broadcast_in_dim3A_126, %get3A_97], %mul3A_124 {add = true} : memref<8x2048xf32, #tpu.memory_space<vmem>>[vector<16xi32>, vector<16xi32>], vector<16xf32>,
      %get3A_127 = arith.constant 4 : i32
      %get3A_128 = arith.index_cast %get3A_127 : i32 to index
      %get3A_129 = arith.index_cast %add3A_96 : i32 to index
      %get3A_130 = tpu.vector_load %arg8[%get3A_128, %get3A_129] {strides = array<i32>} : memref<8x4096xf32, #tpu.memory_space<vmem>>, vector<16xf32>,
      %mul3A_131 = arith.mulf %get3A_130, %get3A_99 : vector<16xf32>
      %broadcast_in_dim3A_132 = arith.constant 4 : i32
      %broadcast_in_dim3A_133 = vector.broadcast %broadcast_in_dim3A_132 : i32 to vector<16xi32>
      tpu.vector_store_idx %arg10[%broadcast_in_dim3A_133, %get3A_97], %mul3A_131 {add = true} : memref<8x2048xf32, #tpu.memory_space<vmem>>[vector<16xi32>, vector<16xi32>], vector<16xf32>,
      %get3A_134 = arith.constant 5 : i32
      %get3A_135 = arith.index_cast %get3A_134 : i32 to index
      %get3A_136 = arith.index_cast %add3A_96 : i32 to index
      %get3A_137 = tpu.vector_load %arg8[%get3A_135, %get3A_136] {strides = array<i32>} : memref<8x4096xf32, #tpu.memory_space<vmem>>, vector<16xf32>,
      %mul3A_138 = arith.mulf %get3A_137, %get3A_99 : vector<16xf32>
      %broadcast_in_dim3A_139 = arith.constant 5 : i32
      %broadcast_in_dim3A_140 = vector.broadcast %broadcast_in_dim3A_139 : i32 to vector<16xi32>
      tpu.vector_store_idx %arg10[%broadcast_in_dim3A_140, %get3A_97], %mul3A_138 {add = true} : memref<8x2048xf32, #tpu.memory_space<vmem>>[vector<16xi32>, vector<16xi32>], vector<16xf32>,
      %get3A_141 = arith.constant 6 : i32
      %get3A_142 = arith.index_cast %get3A_141 : i32 to index
      %get3A_143 = arith.index_cast %add3A_96 : i32 to index
      %get3A_144 = tpu.vector_load %arg8[%get3A_142, %get3A_143] {strides = array<i32>} : memref<8x4096xf32, #tpu.memory_space<vmem>>, vector<16xf32>,
      %mul3A_145 = arith.mulf %get3A_144, %get3A_99 : vector<16xf32>
      %broadcast_in_dim3A_146 = arith.constant 6 : i32
      %broadcast_in_dim3A_147 = vector.broadcast %broadcast_in_dim3A_146 : i32 to vector<16xi32>
      tpu.vector_store_idx %arg10[%broadcast_in_dim3A_147, %get3A_97], %mul3A_145 {add = true} : memref<8x2048xf32, #tpu.memory_space<vmem>>[vector<16xi32>, vector<16xi32>], vector<16xf32>,
      %get3A_148 = arith.constant 7 : i32
      %get3A_149 = arith.index_cast %get3A_148 : i32 to index
      %get3A_150 = arith.index_cast %add3A_96 : i32 to index
      %get3A_151 = tpu.vector_load %arg8[%get3A_149, %get3A_150] {strides = array<i32>} : memref<8x4096xf32, #tpu.memory_space<vmem>>, vector<16xf32>,
      %mul3A_152 = arith.mulf %get3A_151, %get3A_99 : vector<16xf32>
      %broadcast_in_dim3A_153 = arith.constant 7 : i32
      %broadcast_in_dim3A_154 = vector.broadcast %broadcast_in_dim3A_153 : i32 to vector<16xi32>
      tpu.vector_store_idx %arg10[%broadcast_in_dim3A_154, %get3A_97], %mul3A_152 {add = true} : memref<8x2048xf32, #tpu.memory_space<vmem>>[vector<16xi32>, vector<16xi32>], vector<16xf32>,
    }
    %scan3A_29 = arith.constant 256 : i32
    %add3A_30 = arith.constant 0 : i32
    %add3A_31 = arith.addi %mul3A_6, %add3A_30 : i32
    "tpu.region"() ({
      %run_scoped3A = tpu.sem_alloc : memref<!tpu.dma_semaphore, #tpu.memory_space<semaphore_mem>>
      %dma_start3A_92 = arith.constant 0 : i32
      %dma_start3A_93 = tpu.memref_slice %arg5[%add3A_31, %dma_start3A_92] : memref<1024x2048xf32, #tpu.memory_space<hbm>> -> memref<8x2048xf32, #tpu.memory_space<hbm>>
      %dma_start3A_94 = arith.constant 0 : i32
      %dma_start3A_95 = tpu.memref_slice %arg5[%add3A_31, %dma_start3A_94] : memref<1024x2048xf32, #tpu.memory_space<hbm>> -> memref<8x2048xf32, #tpu.memory_space<hbm>>
      tpu.enqueue_dma source(%arg10 : memref<8x2048xf32, #tpu.memory_space<vmem>>) target(%dma_start3A_95 : memref<8x2048xf32, #tpu.memory_space<hbm>>) target_semaphore(%run_scoped3A : memref<!tpu.dma_semaphore, #tpu.memory_space<semaphore_mem>>)
      %dma_wait3A_96 = arith.constant 0 : i32
      %dma_wait3A_97 = tpu.memref_slice %arg5[%add3A_31, %dma_wait3A_96] : memref<1024x2048xf32, #tpu.memory_space<hbm>> -> memref<8x2048xf32, #tpu.memory_space<hbm>>
      %dma_wait3A_98 = arith.constant 0 : i32
      %dma_wait3A_99 = tpu.memref_slice %arg5[%add3A_31, %dma_wait3A_98] : memref<1024x2048xf32, #tpu.memory_space<hbm>> -> memref<8x2048xf32, #tpu.memory_space<hbm>>
      tpu.wait_dma2 semaphore(%run_scoped3A : memref<!tpu.dma_semaphore, #tpu.memory_space<semaphore_mem>>) src(%arg10 : memref<8x2048xf32, #tpu.memory_space<vmem>>) dst(%dma_wait3A_99 : memref<8x2048xf32, #tpu.memory_space<hbm>>)
      tpu.yield
    }) : () -> ()
    %add3A_32 = arith.constant 16 : i32
    %add3A_33 = arith.addi %add3A_4, %add3A_32 : i32
    %dma_start3A_34 = arith.constant 0 : i32
    %dma_start3A_35 = tpu.memref_slice %arg2[%add3A_33, %dma_start3A_34] : memref<4096x4096xf32, #tpu.memory_space<hbm>> -> memref<8x4096xf32, #tpu.memory_space<hbm>>
    %dma_start3A_36 = arith.constant 0 : i32
    %dma_start3A_37 = tpu.memref_slice %arg2[%add3A_33, %dma_start3A_36] : memref<4096x4096xf32, #tpu.memory_space<hbm>> -> memref<8x4096xf32, #tpu.memory_space<hbm>>
    tpu.enqueue_dma source(%dma_start3A_37 : memref<8x4096xf32, #tpu.memory_space<hbm>>) target(%arg8 : memref<8x4096xf32, #tpu.memory_space<vmem>>) target_semaphore(%arg11 : memref<!tpu.dma_semaphore, #tpu.memory_space<semaphore_mem>>)
    %dma_wait3A_38 = arith.constant 0 : i32
    %dma_wait3A_39 = tpu.memref_slice %arg2[%add3A_13, %dma_wait3A_38] : memref<4096x4096xf32, #tpu.memory_space<hbm>> -> memref<8x4096xf32, #tpu.memory_space<hbm>>
    %dma_wait3A_40 = arith.constant 0 : i32
    %dma_wait3A_41 = tpu.memref_slice %arg2[%add3A_13, %dma_wait3A_40] : memref<4096x4096xf32, #tpu.memory_space<hbm>> -> memref<8x4096xf32, #tpu.memory_space<hbm>>
    tpu.wait_dma2 semaphore(%arg12 : memref<!tpu.dma_semaphore, #tpu.memory_space<semaphore_mem>>) src(%dma_wait3A_41 : memref<8x4096xf32, #tpu.memory_space<hbm>>) dst(%arg9 : memref<8x4096xf32, #tpu.memory_space<vmem>>)
    %scan3A_42 = arith.constant 0 : i32
    %scan3A_43 = arith.constant 128 : i32
    %scan3A_44 = arith.addi %scan3A_42, %scan3A_43 : i32
    %scan3A_45 = arith.constant 1 : i32
    scf.for %scan3A_92 = %scan3A_42 to %scan3A_44 step %scan3A_45  : i32 {
      %mul3A_93 = arith.constant 16 : i32
      %mul3A_94 = arith.muli %scan3A_92, %mul3A_93 : i32
      %add3A_95 = arith.constant 0 : i32
      %add3A_96 = arith.addi %add3A_95, %mul3A_94 : i32
      %broadcast_in_dim3A = arith.constant 0.000000e+00 : f32
      %broadcast_in_dim3A_97 = vector.broadcast %broadcast_in_dim3A : f32 to vector<16xf32>
      %swap3A = arith.constant 0 : i32
      %swap3A_98 = arith.index_cast %swap3A : i32 to index
      %swap3A_99 = arith.index_cast %add3A_96 : i32 to index
      %swap3A_100 = tpu.vector_load %arg10[%swap3A_98, %swap3A_99] {strides = array<i32>} : memref<8x2048xf32, #tpu.memory_space<vmem>>, vector<16xf32>,
      tpu.vector_store %arg10[%swap3A_98, %swap3A_99], %broadcast_in_dim3A_97 {strides = array<i32>} : memref<8x2048xf32, #tpu.memory_space<vmem>>, vector<16xf32>,
      %swap3A_101 = arith.constant 1 : i32
      %swap3A_102 = arith.index_cast %swap3A_101 : i32 to index
      %swap3A_103 = arith.index_cast %add3A_96 : i32 to index
      %swap3A_104 = tpu.vector_load %arg10[%swap3A_102, %swap3A_103] {strides = array<i32>} : memref<8x2048xf32, #tpu.memory_space<vmem>>, vector<16xf32>,
      tpu.vector_store %arg10[%swap3A_102, %swap3A_103], %broadcast_in_dim3A_97 {strides = array<i32>} : memref<8x2048xf32, #tpu.memory_space<vmem>>, vector<16xf32>,
      %swap3A_105 = arith.constant 2 : i32
      %swap3A_106 = arith.index_cast %swap3A_105 : i32 to index
      %swap3A_107 = arith.index_cast %add3A_96 : i32 to index
      %swap3A_108 = tpu.vector_load %arg10[%swap3A_106, %swap3A_107] {strides = array<i32>} : memref<8x2048xf32, #tpu.memory_space<vmem>>, vector<16xf32>,
      tpu.vector_store %arg10[%swap3A_106, %swap3A_107], %broadcast_in_dim3A_97 {strides = array<i32>} : memref<8x2048xf32, #tpu.memory_space<vmem>>, vector<16xf32>,
      %swap3A_109 = arith.constant 3 : i32
      %swap3A_110 = arith.index_cast %swap3A_109 : i32 to index
      %swap3A_111 = arith.index_cast %add3A_96 : i32 to index
      %swap3A_112 = tpu.vector_load %arg10[%swap3A_110, %swap3A_111] {strides = array<i32>} : memref<8x2048xf32, #tpu.memory_space<vmem>>, vector<16xf32>,
      tpu.vector_store %arg10[%swap3A_110, %swap3A_111], %broadcast_in_dim3A_97 {strides = array<i32>} : memref<8x2048xf32, #tpu.memory_space<vmem>>, vector<16xf32>,
      %swap3A_113 = arith.constant 4 : i32
      %swap3A_114 = arith.index_cast %swap3A_113 : i32 to index
      %swap3A_115 = arith.index_cast %add3A_96 : i32 to index
      %swap3A_116 = tpu.vector_load %arg10[%swap3A_114, %swap3A_115] {strides = array<i32>} : memref<8x2048xf32, #tpu.memory_space<vmem>>, vector<16xf32>,
      tpu.vector_store %arg10[%swap3A_114, %swap3A_115], %broadcast_in_dim3A_97 {strides = array<i32>} : memref<8x2048xf32, #tpu.memory_space<vmem>>, vector<16xf32>,
      %swap3A_117 = arith.constant 5 : i32
      %swap3A_118 = arith.index_cast %swap3A_117 : i32 to index
      %swap3A_119 = arith.index_cast %add3A_96 : i32 to index
      %swap3A_120 = tpu.vector_load %arg10[%swap3A_118, %swap3A_119] {strides = array<i32>} : memref<8x2048xf32, #tpu.memory_space<vmem>>, vector<16xf32>,
      tpu.vector_store %arg10[%swap3A_118, %swap3A_119], %broadcast_in_dim3A_97 {strides = array<i32>} : memref<8x2048xf32, #tpu.memory_space<vmem>>, vector<16xf32>,
      %swap3A_121 = arith.constant 6 : i32
      %swap3A_122 = arith.index_cast %swap3A_121 : i32 to index
      %swap3A_123 = arith.index_cast %add3A_96 : i32 to index
      %swap3A_124 = tpu.vector_load %arg10[%swap3A_122, %swap3A_123] {strides = array<i32>} : memref<8x2048xf32, #tpu.memory_space<vmem>>, vector<16xf32>,
      tpu.vector_store %arg10[%swap3A_122, %swap3A_123], %broadcast_in_dim3A_97 {strides = array<i32>} : memref<8x2048xf32, #tpu.memory_space<vmem>>, vector<16xf32>,
      %swap3A_125 = arith.constant 7 : i32
      %swap3A_126 = arith.index_cast %swap3A_125 : i32 to index
      %swap3A_127 = arith.index_cast %add3A_96 : i32 to index
      %swap3A_128 = tpu.vector_load %arg10[%swap3A_126, %swap3A_127] {strides = array<i32>} : memref<8x2048xf32, #tpu.memory_space<vmem>>, vector<16xf32>,
      tpu.vector_store %arg10[%swap3A_126, %swap3A_127], %broadcast_in_dim3A_97 {strides = array<i32>} : memref<8x2048xf32, #tpu.memory_space<vmem>>, vector<16xf32>,
    }
    %scan3A_46 = arith.constant 128 : i32
    %scan3A_47 = arith.constant 0 : i32
    %scan3A_48 = arith.constant 256 : i32
    %scan3A_49 = arith.addi %scan3A_47, %scan3A_48 : i32
    %scan3A_50 = arith.constant 1 : i32
    scf.for %scan3A_92 = %scan3A_47 to %scan3A_49 step %scan3A_50  : i32 {
      %mul3A_93 = arith.constant 16 : i32
      %mul3A_94 = arith.muli %scan3A_92, %mul3A_93 : i32
      %add3A_95 = arith.constant 0 : i32
      %add3A_96 = arith.addi %add3A_95, %mul3A_94 : i32
      %get3A = arith.index_cast %add3A_96 : i32 to index
      %get3A_97 = tpu.vector_load %arg6[%get3A] {strides = array<i32>} : memref<4096xi32, #tpu.memory_space<vmem>>, vector<16xi32>,
      %get3A_98 = arith.index_cast %add3A_96 : i32 to index
      %get3A_99 = tpu.vector_load %arg7[%get3A_98] {strides = array<i32>} : memref<4096xf32, #tpu.memory_space<vmem>>, vector<16xf32>,
      %get3A_100 = arith.constant 0 : i32
      %get3A_101 = arith.index_cast %get3A_100 : i32 to index
      %get3A_102 = arith.index_cast %add3A_96 : i32 to index
      %get3A_103 = tpu.vector_load %arg9[%get3A_101, %get3A_102] {strides = array<i32>} : memref<8x4096xf32, #tpu.memory_space<vmem>>, vector<16xf32>,
      %mul3A_104 = arith.mulf %get3A_103, %get3A_99 : vector<16xf32>
      %broadcast_in_dim3A = arith.constant 0 : i32
      %broadcast_in_dim3A_105 = vector.broadcast %broadcast_in_dim3A : i32 to vector<16xi32>
      tpu.vector_store_idx %arg10[%broadcast_in_dim3A_105, %get3A_97], %mul3A_104 {add = true} : memref<8x2048xf32, #tpu.memory_space<vmem>>[vector<16xi32>, vector<16xi32>], vector<16xf32>,
      %get3A_106 = arith.constant 1 : i32
      %get3A_107 = arith.index_cast %get3A_106 : i32 to index
      %get3A_108 = arith.index_cast %add3A_96 : i32 to index
      %get3A_109 = tpu.vector_load %arg9[%get3A_107, %get3A_108] {strides = array<i32>} : memref<8x4096xf32, #tpu.memory_space<vmem>>, vector<16xf32>,
      %mul3A_110 = arith.mulf %get3A_109, %get3A_99 : vector<16xf32>
      %broadcast_in_dim3A_111 = arith.constant 1 : i32
      %broadcast_in_dim3A_112 = vector.broadcast %broadcast_in_dim3A_111 : i32 to vector<16xi32>
      tpu.vector_store_idx %arg10[%broadcast_in_dim3A_112, %get3A_97], %mul3A_110 {add = true} : memref<8x2048xf32, #tpu.memory_space<vmem>>[vector<16xi32>, vector<16xi32>], vector<16xf32>,
      %get3A_113 = arith.constant 2 : i32
      %get3A_114 = arith.index_cast %get3A_113 : i32 to index
      %get3A_115 = arith.index_cast %add3A_96 : i32 to index
      %get3A_116 = tpu.vector_load %arg9[%get3A_114, %get3A_115] {strides = array<i32>} : memref<8x4096xf32, #tpu.memory_space<vmem>>, vector<16xf32>,
      %mul3A_117 = arith.mulf %get3A_116, %get3A_99 : vector<16xf32>
      %broadcast_in_dim3A_118 = arith.constant 2 : i32
      %broadcast_in_dim3A_119 = vector.broadcast %broadcast_in_dim3A_118 : i32 to vector<16xi32>
      tpu.vector_store_idx %arg10[%broadcast_in_dim3A_119, %get3A_97], %mul3A_117 {add = true} : memref<8x2048xf32, #tpu.memory_space<vmem>>[vector<16xi32>, vector<16xi32>], vector<16xf32>,
      %get3A_120 = arith.constant 3 : i32
      %get3A_121 = arith.index_cast %get3A_120 : i32 to index
      %get3A_122 = arith.index_cast %add3A_96 : i32 to index
      %get3A_123 = tpu.vector_load %arg9[%get3A_121, %get3A_122] {strides = array<i32>} : memref<8x4096xf32, #tpu.memory_space<vmem>>, vector<16xf32>,
      %mul3A_124 = arith.mulf %get3A_123, %get3A_99 : vector<16xf32>
      %broadcast_in_dim3A_125 = arith.constant 3 : i32
      %broadcast_in_dim3A_126 = vector.broadcast %broadcast_in_dim3A_125 : i32 to vector<16xi32>
      tpu.vector_store_idx %arg10[%broadcast_in_dim3A_126, %get3A_97], %mul3A_124 {add = true} : memref<8x2048xf32, #tpu.memory_space<vmem>>[vector<16xi32>, vector<16xi32>], vector<16xf32>,
      %get3A_127 = arith.constant 4 : i32
      %get3A_128 = arith.index_cast %get3A_127 : i32 to index
      %get3A_129 = arith.index_cast %add3A_96 : i32 to index
      %get3A_130 = tpu.vector_load %arg9[%get3A_128, %get3A_129] {strides = array<i32>} : memref<8x4096xf32, #tpu.memory_space<vmem>>, vector<16xf32>,
      %mul3A_131 = arith.mulf %get3A_130, %get3A_99 : vector<16xf32>
      %broadcast_in_dim3A_132 = arith.constant 4 : i32
      %broadcast_in_dim3A_133 = vector.broadcast %broadcast_in_dim3A_132 : i32 to vector<16xi32>
      tpu.vector_store_idx %arg10[%broadcast_in_dim3A_133, %get3A_97], %mul3A_131 {add = true} : memref<8x2048xf32, #tpu.memory_space<vmem>>[vector<16xi32>, vector<16xi32>], vector<16xf32>,
      %get3A_134 = arith.constant 5 : i32
      %get3A_135 = arith.index_cast %get3A_134 : i32 to index
      %get3A_136 = arith.index_cast %add3A_96 : i32 to index
      %get3A_137 = tpu.vector_load %arg9[%get3A_135, %get3A_136] {strides = array<i32>} : memref<8x4096xf32, #tpu.memory_space<vmem>>, vector<16xf32>,
      %mul3A_138 = arith.mulf %get3A_137, %get3A_99 : vector<16xf32>
      %broadcast_in_dim3A_139 = arith.constant 5 : i32
      %broadcast_in_dim3A_140 = vector.broadcast %broadcast_in_dim3A_139 : i32 to vector<16xi32>
      tpu.vector_store_idx %arg10[%broadcast_in_dim3A_140, %get3A_97], %mul3A_138 {add = true} : memref<8x2048xf32, #tpu.memory_space<vmem>>[vector<16xi32>, vector<16xi32>], vector<16xf32>,
      %get3A_141 = arith.constant 6 : i32
      %get3A_142 = arith.index_cast %get3A_141 : i32 to index
      %get3A_143 = arith.index_cast %add3A_96 : i32 to index
      %get3A_144 = tpu.vector_load %arg9[%get3A_142, %get3A_143] {strides = array<i32>} : memref<8x4096xf32, #tpu.memory_space<vmem>>, vector<16xf32>,
      %mul3A_145 = arith.mulf %get3A_144, %get3A_99 : vector<16xf32>
      %broadcast_in_dim3A_146 = arith.constant 6 : i32
      %broadcast_in_dim3A_147 = vector.broadcast %broadcast_in_dim3A_146 : i32 to vector<16xi32>
      tpu.vector_store_idx %arg10[%broadcast_in_dim3A_147, %get3A_97], %mul3A_145 {add = true} : memref<8x2048xf32, #tpu.memory_space<vmem>>[vector<16xi32>, vector<16xi32>], vector<16xf32>,
      %get3A_148 = arith.constant 7 : i32
      %get3A_149 = arith.index_cast %get3A_148 : i32 to index
      %get3A_150 = arith.index_cast %add3A_96 : i32 to index
      %get3A_151 = tpu.vector_load %arg9[%get3A_149, %get3A_150] {strides = array<i32>} : memref<8x4096xf32, #tpu.memory_space<vmem>>, vector<16xf32>,
      %mul3A_152 = arith.mulf %get3A_151, %get3A_99 : vector<16xf32>
      %broadcast_in_dim3A_153 = arith.constant 7 : i32
      %broadcast_in_dim3A_154 = vector.broadcast %broadcast_in_dim3A_153 : i32 to vector<16xi32>
      tpu.vector_store_idx %arg10[%broadcast_in_dim3A_154, %get3A_97], %mul3A_152 {add = true} : memref<8x2048xf32, #tpu.memory_space<vmem>>[vector<16xi32>, vector<16xi32>], vector<16xf32>,
    }
    %scan3A_51 = arith.constant 256 : i32
    %add3A_52 = arith.constant 8 : i32
    %add3A_53 = arith.addi %mul3A_6, %add3A_52 : i32
    "tpu.region"() ({
      %run_scoped3A = tpu.sem_alloc : memref<!tpu.dma_semaphore, #tpu.memory_space<semaphore_mem>>
      %dma_start3A_92 = arith.constant 0 : i32
      %dma_start3A_93 = tpu.memref_slice %arg5[%add3A_53, %dma_start3A_92] : memref<1024x2048xf32, #tpu.memory_space<hbm>> -> memref<8x2048xf32, #tpu.memory_space<hbm>>
      %dma_start3A_94 = arith.constant 0 : i32
      %dma_start3A_95 = tpu.memref_slice %arg5[%add3A_53, %dma_start3A_94] : memref<1024x2048xf32, #tpu.memory_space<hbm>> -> memref<8x2048xf32, #tpu.memory_space<hbm>>
      tpu.enqueue_dma source(%arg10 : memref<8x2048xf32, #tpu.memory_space<vmem>>) target(%dma_start3A_95 : memref<8x2048xf32, #tpu.memory_space<hbm>>) target_semaphore(%run_scoped3A : memref<!tpu.dma_semaphore, #tpu.memory_space<semaphore_mem>>)
      %dma_wait3A_96 = arith.constant 0 : i32
      %dma_wait3A_97 = tpu.memref_slice %arg5[%add3A_53, %dma_wait3A_96] : memref<1024x2048xf32, #tpu.memory_space<hbm>> -> memref<8x2048xf32, #tpu.memory_space<hbm>>
      %dma_wait3A_98 = arith.constant 0 : i32
      %dma_wait3A_99 = tpu.memref_slice %arg5[%add3A_53, %dma_wait3A_98] : memref<1024x2048xf32, #tpu.memory_space<hbm>> -> memref<8x2048xf32, #tpu.memory_space<hbm>>
      tpu.wait_dma2 semaphore(%run_scoped3A : memref<!tpu.dma_semaphore, #tpu.memory_space<semaphore_mem>>) src(%arg10 : memref<8x2048xf32, #tpu.memory_space<vmem>>) dst(%dma_wait3A_99 : memref<8x2048xf32, #tpu.memory_space<hbm>>)
      tpu.yield
    }) : () -> ()
    %add3A_54 = arith.constant 24 : i32
    %add3A_55 = arith.addi %add3A_4, %add3A_54 : i32
    %dma_start3A_56 = arith.constant 0 : i32
    %dma_start3A_57 = tpu.memref_slice %arg2[%add3A_55, %dma_start3A_56] : memref<4096x4096xf32, #tpu.memory_space<hbm>> -> memref<8x4096xf32, #tpu.memory_space<hbm>>
    %dma_start3A_58 = arith.constant 0 : i32
    %dma_start3A_59 = tpu.memref_slice %arg2[%add3A_55, %dma_start3A_58] : memref<4096x4096xf32, #tpu.memory_space<hbm>> -> memref<8x4096xf32, #tpu.memory_space<hbm>>
    tpu.enqueue_dma source(%dma_start3A_59 : memref<8x4096xf32, #tpu.memory_space<hbm>>) target(%arg9 : memref<8x4096xf32, #tpu.memory_space<vmem>>) target_semaphore(%arg12 : memref<!tpu.dma_semaphore, #tpu.memory_space<semaphore_mem>>)
    %dma_wait3A_60 = arith.constant 0 : i32
    %dma_wait3A_61 = tpu.memref_slice %arg2[%add3A_33, %dma_wait3A_60] : memref<4096x4096xf32, #tpu.memory_space<hbm>> -> memref<8x4096xf32, #tpu.memory_space<hbm>>
    %dma_wait3A_62 = arith.constant 0 : i32
    %dma_wait3A_63 = tpu.memref_slice %arg2[%add3A_33, %dma_wait3A_62] : memref<4096x4096xf32, #tpu.memory_space<hbm>> -> memref<8x4096xf32, #tpu.memory_space<hbm>>
    tpu.wait_dma2 semaphore(%arg11 : memref<!tpu.dma_semaphore, #tpu.memory_space<semaphore_mem>>) src(%dma_wait3A_63 : memref<8x4096xf32, #tpu.memory_space<hbm>>) dst(%arg8 : memref<8x4096xf32, #tpu.memory_space<vmem>>)
    %scan3A_64 = arith.constant 0 : i32
    %scan3A_65 = arith.constant 128 : i32
    %scan3A_66 = arith.addi %scan3A_64, %scan3A_65 : i32
    %scan3A_67 = arith.constant 1 : i32
    scf.for %scan3A_92 = %scan3A_64 to %scan3A_66 step %scan3A_67  : i32 {
      %mul3A_93 = arith.constant 16 : i32
      %mul3A_94 = arith.muli %scan3A_92, %mul3A_93 : i32
      %add3A_95 = arith.constant 0 : i32
      %add3A_96 = arith.addi %add3A_95, %mul3A_94 : i32
      %broadcast_in_dim3A = arith.constant 0.000000e+00 : f32
      %broadcast_in_dim3A_97 = vector.broadcast %broadcast_in_dim3A : f32 to vector<16xf32>
      %swap3A = arith.constant 0 : i32
      %swap3A_98 = arith.index_cast %swap3A : i32 to index
      %swap3A_99 = arith.index_cast %add3A_96 : i32 to index
      %swap3A_100 = tpu.vector_load %arg10[%swap3A_98, %swap3A_99] {strides = array<i32>} : memref<8x2048xf32, #tpu.memory_space<vmem>>, vector<16xf32>,
      tpu.vector_store %arg10[%swap3A_98, %swap3A_99], %broadcast_in_dim3A_97 {strides = array<i32>} : memref<8x2048xf32, #tpu.memory_space<vmem>>, vector<16xf32>,
      %swap3A_101 = arith.constant 1 : i32
      %swap3A_102 = arith.index_cast %swap3A_101 : i32 to index
      %swap3A_103 = arith.index_cast %add3A_96 : i32 to index
      %swap3A_104 = tpu.vector_load %arg10[%swap3A_102, %swap3A_103] {strides = array<i32>} : memref<8x2048xf32, #tpu.memory_space<vmem>>, vector<16xf32>,
      tpu.vector_store %arg10[%swap3A_102, %swap3A_103], %broadcast_in_dim3A_97 {strides = array<i32>} : memref<8x2048xf32, #tpu.memory_space<vmem>>, vector<16xf32>,
      %swap3A_105 = arith.constant 2 : i32
      %swap3A_106 = arith.index_cast %swap3A_105 : i32 to index
      %swap3A_107 = arith.index_cast %add3A_96 : i32 to index
      %swap3A_108 = tpu.vector_load %arg10[%swap3A_106, %swap3A_107] {strides = array<i32>} : memref<8x2048xf32, #tpu.memory_space<vmem>>, vector<16xf32>,
      tpu.vector_store %arg10[%swap3A_106, %swap3A_107], %broadcast_in_dim3A_97 {strides = array<i32>} : memref<8x2048xf32, #tpu.memory_space<vmem>>, vector<16xf32>,
      %swap3A_109 = arith.constant 3 : i32
      %swap3A_110 = arith.index_cast %swap3A_109 : i32 to index
      %swap3A_111 = arith.index_cast %add3A_96 : i32 to index
      %swap3A_112 = tpu.vector_load %arg10[%swap3A_110, %swap3A_111] {strides = array<i32>} : memref<8x2048xf32, #tpu.memory_space<vmem>>, vector<16xf32>,
      tpu.vector_store %arg10[%swap3A_110, %swap3A_111], %broadcast_in_dim3A_97 {strides = array<i32>} : memref<8x2048xf32, #tpu.memory_space<vmem>>, vector<16xf32>,
      %swap3A_113 = arith.constant 4 : i32
      %swap3A_114 = arith.index_cast %swap3A_113 : i32 to index
      %swap3A_115 = arith.index_cast %add3A_96 : i32 to index
      %swap3A_116 = tpu.vector_load %arg10[%swap3A_114, %swap3A_115] {strides = array<i32>} : memref<8x2048xf32, #tpu.memory_space<vmem>>, vector<16xf32>,
      tpu.vector_store %arg10[%swap3A_114, %swap3A_115], %broadcast_in_dim3A_97 {strides = array<i32>} : memref<8x2048xf32, #tpu.memory_space<vmem>>, vector<16xf32>,
      %swap3A_117 = arith.constant 5 : i32
      %swap3A_118 = arith.index_cast %swap3A_117 : i32 to index
      %swap3A_119 = arith.index_cast %add3A_96 : i32 to index
      %swap3A_120 = tpu.vector_load %arg10[%swap3A_118, %swap3A_119] {strides = array<i32>} : memref<8x2048xf32, #tpu.memory_space<vmem>>, vector<16xf32>,
      tpu.vector_store %arg10[%swap3A_118, %swap3A_119], %broadcast_in_dim3A_97 {strides = array<i32>} : memref<8x2048xf32, #tpu.memory_space<vmem>>, vector<16xf32>,
      %swap3A_121 = arith.constant 6 : i32
      %swap3A_122 = arith.index_cast %swap3A_121 : i32 to index
      %swap3A_123 = arith.index_cast %add3A_96 : i32 to index
      %swap3A_124 = tpu.vector_load %arg10[%swap3A_122, %swap3A_123] {strides = array<i32>} : memref<8x2048xf32, #tpu.memory_space<vmem>>, vector<16xf32>,
      tpu.vector_store %arg10[%swap3A_122, %swap3A_123], %broadcast_in_dim3A_97 {strides = array<i32>} : memref<8x2048xf32, #tpu.memory_space<vmem>>, vector<16xf32>,
      %swap3A_125 = arith.constant 7 : i32
      %swap3A_126 = arith.index_cast %swap3A_125 : i32 to index
      %swap3A_127 = arith.index_cast %add3A_96 : i32 to index
      %swap3A_128 = tpu.vector_load %arg10[%swap3A_126, %swap3A_127] {strides = array<i32>} : memref<8x2048xf32, #tpu.memory_space<vmem>>, vector<16xf32>,
      tpu.vector_store %arg10[%swap3A_126, %swap3A_127], %broadcast_in_dim3A_97 {strides = array<i32>} : memref<8x2048xf32, #tpu.memory_space<vmem>>, vector<16xf32>,
    }
    %scan3A_68 = arith.constant 128 : i32
    %scan3A_69 = arith.constant 0 : i32
    %scan3A_70 = arith.constant 256 : i32
    %scan3A_71 = arith.addi %scan3A_69, %scan3A_70 : i32
    %scan3A_72 = arith.constant 1 : i32
    scf.for %scan3A_92 = %scan3A_69 to %scan3A_71 step %scan3A_72  : i32 {
      %mul3A_93 = arith.constant 16 : i32
      %mul3A_94 = arith.muli %scan3A_92, %mul3A_93 : i32
      %add3A_95 = arith.constant 0 : i32
      %add3A_96 = arith.addi %add3A_95, %mul3A_94 : i32
      %get3A = arith.index_cast %add3A_96 : i32 to index
      %get3A_97 = tpu.vector_load %arg6[%get3A] {strides = array<i32>} : memref<4096xi32, #tpu.memory_space<vmem>>, vector<16xi32>,
      %get3A_98 = arith.index_cast %add3A_96 : i32 to index
      %get3A_99 = tpu.vector_load %arg7[%get3A_98] {strides = array<i32>} : memref<4096xf32, #tpu.memory_space<vmem>>, vector<16xf32>,
      %get3A_100 = arith.constant 0 : i32
      %get3A_101 = arith.index_cast %get3A_100 : i32 to index
      %get3A_102 = arith.index_cast %add3A_96 : i32 to index
      %get3A_103 = tpu.vector_load %arg8[%get3A_101, %get3A_102] {strides = array<i32>} : memref<8x4096xf32, #tpu.memory_space<vmem>>, vector<16xf32>,
      %mul3A_104 = arith.mulf %get3A_103, %get3A_99 : vector<16xf32>
      %broadcast_in_dim3A = arith.constant 0 : i32
      %broadcast_in_dim3A_105 = vector.broadcast %broadcast_in_dim3A : i32 to vector<16xi32>
      tpu.vector_store_idx %arg10[%broadcast_in_dim3A_105, %get3A_97], %mul3A_104 {add = true} : memref<8x2048xf32, #tpu.memory_space<vmem>>[vector<16xi32>, vector<16xi32>], vector<16xf32>,
      %get3A_106 = arith.constant 1 : i32
      %get3A_107 = arith.index_cast %get3A_106 : i32 to index
      %get3A_108 = arith.index_cast %add3A_96 : i32 to index
      %get3A_109 = tpu.vector_load %arg8[%get3A_107, %get3A_108] {strides = array<i32>} : memref<8x4096xf32, #tpu.memory_space<vmem>>, vector<16xf32>,
      %mul3A_110 = arith.mulf %get3A_109, %get3A_99 : vector<16xf32>
      %broadcast_in_dim3A_111 = arith.constant 1 : i32
      %broadcast_in_dim3A_112 = vector.broadcast %broadcast_in_dim3A_111 : i32 to vector<16xi32>
      tpu.vector_store_idx %arg10[%broadcast_in_dim3A_112, %get3A_97], %mul3A_110 {add = true} : memref<8x2048xf32, #tpu.memory_space<vmem>>[vector<16xi32>, vector<16xi32>], vector<16xf32>,
      %get3A_113 = arith.constant 2 : i32
      %get3A_114 = arith.index_cast %get3A_113 : i32 to index
      %get3A_115 = arith.index_cast %add3A_96 : i32 to index
      %get3A_116 = tpu.vector_load %arg8[%get3A_114, %get3A_115] {strides = array<i32>} : memref<8x4096xf32, #tpu.memory_space<vmem>>, vector<16xf32>,
      %mul3A_117 = arith.mulf %get3A_116, %get3A_99 : vector<16xf32>
      %broadcast_in_dim3A_118 = arith.constant 2 : i32
      %broadcast_in_dim3A_119 = vector.broadcast %broadcast_in_dim3A_118 : i32 to vector<16xi32>
      tpu.vector_store_idx %arg10[%broadcast_in_dim3A_119, %get3A_97], %mul3A_117 {add = true} : memref<8x2048xf32, #tpu.memory_space<vmem>>[vector<16xi32>, vector<16xi32>], vector<16xf32>,
      %get3A_120 = arith.constant 3 : i32
      %get3A_121 = arith.index_cast %get3A_120 : i32 to index
      %get3A_122 = arith.index_cast %add3A_96 : i32 to index
      %get3A_123 = tpu.vector_load %arg8[%get3A_121, %get3A_122] {strides = array<i32>} : memref<8x4096xf32, #tpu.memory_space<vmem>>, vector<16xf32>,
      %mul3A_124 = arith.mulf %get3A_123, %get3A_99 : vector<16xf32>
      %broadcast_in_dim3A_125 = arith.constant 3 : i32
      %broadcast_in_dim3A_126 = vector.broadcast %broadcast_in_dim3A_125 : i32 to vector<16xi32>
      tpu.vector_store_idx %arg10[%broadcast_in_dim3A_126, %get3A_97], %mul3A_124 {add = true} : memref<8x2048xf32, #tpu.memory_space<vmem>>[vector<16xi32>, vector<16xi32>], vector<16xf32>,
      %get3A_127 = arith.constant 4 : i32
      %get3A_128 = arith.index_cast %get3A_127 : i32 to index
      %get3A_129 = arith.index_cast %add3A_96 : i32 to index
      %get3A_130 = tpu.vector_load %arg8[%get3A_128, %get3A_129] {strides = array<i32>} : memref<8x4096xf32, #tpu.memory_space<vmem>>, vector<16xf32>,
      %mul3A_131 = arith.mulf %get3A_130, %get3A_99 : vector<16xf32>
      %broadcast_in_dim3A_132 = arith.constant 4 : i32
      %broadcast_in_dim3A_133 = vector.broadcast %broadcast_in_dim3A_132 : i32 to vector<16xi32>
      tpu.vector_store_idx %arg10[%broadcast_in_dim3A_133, %get3A_97], %mul3A_131 {add = true} : memref<8x2048xf32, #tpu.memory_space<vmem>>[vector<16xi32>, vector<16xi32>], vector<16xf32>,
      %get3A_134 = arith.constant 5 : i32
      %get3A_135 = arith.index_cast %get3A_134 : i32 to index
      %get3A_136 = arith.index_cast %add3A_96 : i32 to index
      %get3A_137 = tpu.vector_load %arg8[%get3A_135, %get3A_136] {strides = array<i32>} : memref<8x4096xf32, #tpu.memory_space<vmem>>, vector<16xf32>,
      %mul3A_138 = arith.mulf %get3A_137, %get3A_99 : vector<16xf32>
      %broadcast_in_dim3A_139 = arith.constant 5 : i32
      %broadcast_in_dim3A_140 = vector.broadcast %broadcast_in_dim3A_139 : i32 to vector<16xi32>
      tpu.vector_store_idx %arg10[%broadcast_in_dim3A_140, %get3A_97], %mul3A_138 {add = true} : memref<8x2048xf32, #tpu.memory_space<vmem>>[vector<16xi32>, vector<16xi32>], vector<16xf32>,
      %get3A_141 = arith.constant 6 : i32
      %get3A_142 = arith.index_cast %get3A_141 : i32 to index
      %get3A_143 = arith.index_cast %add3A_96 : i32 to index
      %get3A_144 = tpu.vector_load %arg8[%get3A_142, %get3A_143] {strides = array<i32>} : memref<8x4096xf32, #tpu.memory_space<vmem>>, vector<16xf32>,
      %mul3A_145 = arith.mulf %get3A_144, %get3A_99 : vector<16xf32>
      %broadcast_in_dim3A_146 = arith.constant 6 : i32
      %broadcast_in_dim3A_147 = vector.broadcast %broadcast_in_dim3A_146 : i32 to vector<16xi32>
      tpu.vector_store_idx %arg10[%broadcast_in_dim3A_147, %get3A_97], %mul3A_145 {add = true} : memref<8x2048xf32, #tpu.memory_space<vmem>>[vector<16xi32>, vector<16xi32>], vector<16xf32>,
      %get3A_148 = arith.constant 7 : i32
      %get3A_149 = arith.index_cast %get3A_148 : i32 to index
      %get3A_150 = arith.index_cast %add3A_96 : i32 to index
      %get3A_151 = tpu.vector_load %arg8[%get3A_149, %get3A_150] {strides = array<i32>} : memref<8x4096xf32, #tpu.memory_space<vmem>>, vector<16xf32>,
      %mul3A_152 = arith.mulf %get3A_151, %get3A_99 : vector<16xf32>
      %broadcast_in_dim3A_153 = arith.constant 7 : i32
      %broadcast_in_dim3A_154 = vector.broadcast %broadcast_in_dim3A_153 : i32 to vector<16xi32>
      tpu.vector_store_idx %arg10[%broadcast_in_dim3A_154, %get3A_97], %mul3A_152 {add = true} : memref<8x2048xf32, #tpu.memory_space<vmem>>[vector<16xi32>, vector<16xi32>], vector<16xf32>,
    }
    %scan3A_73 = arith.constant 256 : i32
    %add3A_74 = arith.constant 16 : i32
    %add3A_75 = arith.addi %mul3A_6, %add3A_74 : i32
    "tpu.region"() ({
      %run_scoped3A = tpu.sem_alloc : memref<!tpu.dma_semaphore, #tpu.memory_space<semaphore_mem>>
      %dma_start3A_92 = arith.constant 0 : i32
      %dma_start3A_93 = tpu.memref_slice %arg5[%add3A_75, %dma_start3A_92] : memref<1024x2048xf32, #tpu.memory_space<hbm>> -> memref<8x2048xf32, #tpu.memory_space<hbm>>
      %dma_start3A_94 = arith.constant 0 : i32
      %dma_start3A_95 = tpu.memref_slice %arg5[%add3A_75, %dma_start3A_94] : memref<1024x2048xf32, #tpu.memory_space<hbm>> -> memref<8x2048xf32, #tpu.memory_space<hbm>>
      tpu.enqueue_dma source(%arg10 : memref<8x2048xf32, #tpu.memory_space<vmem>>) target(%dma_start3A_95 : memref<8x2048xf32, #tpu.memory_space<hbm>>) target_semaphore(%run_scoped3A : memref<!tpu.dma_semaphore, #tpu.memory_space<semaphore_mem>>)
      %dma_wait3A_96 = arith.constant 0 : i32
      %dma_wait3A_97 = tpu.memref_slice %arg5[%add3A_75, %dma_wait3A_96] : memref<1024x2048xf32, #tpu.memory_space<hbm>> -> memref<8x2048xf32, #tpu.memory_space<hbm>>
      %dma_wait3A_98 = arith.constant 0 : i32
      %dma_wait3A_99 = tpu.memref_slice %arg5[%add3A_75, %dma_wait3A_98] : memref<1024x2048xf32, #tpu.memory_space<hbm>> -> memref<8x2048xf32, #tpu.memory_space<hbm>>
      tpu.wait_dma2 semaphore(%run_scoped3A : memref<!tpu.dma_semaphore, #tpu.memory_space<semaphore_mem>>) src(%arg10 : memref<8x2048xf32, #tpu.memory_space<vmem>>) dst(%dma_wait3A_99 : memref<8x2048xf32, #tpu.memory_space<hbm>>)
      tpu.yield
    }) : () -> ()
    %dma_wait3A_76 = arith.constant 0 : i32
    %dma_wait3A_77 = tpu.memref_slice %arg2[%add3A_55, %dma_wait3A_76] : memref<4096x4096xf32, #tpu.memory_space<hbm>> -> memref<8x4096xf32, #tpu.memory_space<hbm>>
    %dma_wait3A_78 = arith.constant 0 : i32
    %dma_wait3A_79 = tpu.memref_slice %arg2[%add3A_55, %dma_wait3A_78] : memref<4096x4096xf32, #tpu.memory_space<hbm>> -> memref<8x4096xf32, #tpu.memory_space<hbm>>
    tpu.wait_dma2 semaphore(%arg12 : memref<!tpu.dma_semaphore, #tpu.memory_space<semaphore_mem>>) src(%dma_wait3A_79 : memref<8x4096xf32, #tpu.memory_space<hbm>>) dst(%arg9 : memref<8x4096xf32, #tpu.memory_space<vmem>>)
    %scan3A_80 = arith.constant 0 : i32
    %scan3A_81 = arith.constant 128 : i32
    %scan3A_82 = arith.addi %scan3A_80, %scan3A_81 : i32
    %scan3A_83 = arith.constant 1 : i32
    scf.for %scan3A_92 = %scan3A_80 to %scan3A_82 step %scan3A_83  : i32 {
      %mul3A_93 = arith.constant 16 : i32
      %mul3A_94 = arith.muli %scan3A_92, %mul3A_93 : i32
      %add3A_95 = arith.constant 0 : i32
      %add3A_96 = arith.addi %add3A_95, %mul3A_94 : i32
      %broadcast_in_dim3A = arith.constant 0.000000e+00 : f32
      %broadcast_in_dim3A_97 = vector.broadcast %broadcast_in_dim3A : f32 to vector<16xf32>
      %swap3A = arith.constant 0 : i32
      %swap3A_98 = arith.index_cast %swap3A : i32 to index
      %swap3A_99 = arith.index_cast %add3A_96 : i32 to index
      %swap3A_100 = tpu.vector_load %arg10[%swap3A_98, %swap3A_99] {strides = array<i32>} : memref<8x2048xf32, #tpu.memory_space<vmem>>, vector<16xf32>,
      tpu.vector_store %arg10[%swap3A_98, %swap3A_99], %broadcast_in_dim3A_97 {strides = array<i32>} : memref<8x2048xf32, #tpu.memory_space<vmem>>, vector<16xf32>,
      %swap3A_101 = arith.constant 1 : i32
      %swap3A_102 = arith.index_cast %swap3A_101 : i32 to index
      %swap3A_103 = arith.index_cast %add3A_96 : i32 to index
      %swap3A_104 = tpu.vector_load %arg10[%swap3A_102, %swap3A_103] {strides = array<i32>} : memref<8x2048xf32, #tpu.memory_space<vmem>>, vector<16xf32>,
      tpu.vector_store %arg10[%swap3A_102, %swap3A_103], %broadcast_in_dim3A_97 {strides = array<i32>} : memref<8x2048xf32, #tpu.memory_space<vmem>>, vector<16xf32>,
      %swap3A_105 = arith.constant 2 : i32
      %swap3A_106 = arith.index_cast %swap3A_105 : i32 to index
      %swap3A_107 = arith.index_cast %add3A_96 : i32 to index
      %swap3A_108 = tpu.vector_load %arg10[%swap3A_106, %swap3A_107] {strides = array<i32>} : memref<8x2048xf32, #tpu.memory_space<vmem>>, vector<16xf32>,
      tpu.vector_store %arg10[%swap3A_106, %swap3A_107], %broadcast_in_dim3A_97 {strides = array<i32>} : memref<8x2048xf32, #tpu.memory_space<vmem>>, vector<16xf32>,
      %swap3A_109 = arith.constant 3 : i32
      %swap3A_110 = arith.index_cast %swap3A_109 : i32 to index
      %swap3A_111 = arith.index_cast %add3A_96 : i32 to index
      %swap3A_112 = tpu.vector_load %arg10[%swap3A_110, %swap3A_111] {strides = array<i32>} : memref<8x2048xf32, #tpu.memory_space<vmem>>, vector<16xf32>,
      tpu.vector_store %arg10[%swap3A_110, %swap3A_111], %broadcast_in_dim3A_97 {strides = array<i32>} : memref<8x2048xf32, #tpu.memory_space<vmem>>, vector<16xf32>,
      %swap3A_113 = arith.constant 4 : i32
      %swap3A_114 = arith.index_cast %swap3A_113 : i32 to index
      %swap3A_115 = arith.index_cast %add3A_96 : i32 to index
      %swap3A_116 = tpu.vector_load %arg10[%swap3A_114, %swap3A_115] {strides = array<i32>} : memref<8x2048xf32, #tpu.memory_space<vmem>>, vector<16xf32>,
      tpu.vector_store %arg10[%swap3A_114, %swap3A_115], %broadcast_in_dim3A_97 {strides = array<i32>} : memref<8x2048xf32, #tpu.memory_space<vmem>>, vector<16xf32>,
      %swap3A_117 = arith.constant 5 : i32
      %swap3A_118 = arith.index_cast %swap3A_117 : i32 to index
      %swap3A_119 = arith.index_cast %add3A_96 : i32 to index
      %swap3A_120 = tpu.vector_load %arg10[%swap3A_118, %swap3A_119] {strides = array<i32>} : memref<8x2048xf32, #tpu.memory_space<vmem>>, vector<16xf32>,
      tpu.vector_store %arg10[%swap3A_118, %swap3A_119], %broadcast_in_dim3A_97 {strides = array<i32>} : memref<8x2048xf32, #tpu.memory_space<vmem>>, vector<16xf32>,
      %swap3A_121 = arith.constant 6 : i32
      %swap3A_122 = arith.index_cast %swap3A_121 : i32 to index
      %swap3A_123 = arith.index_cast %add3A_96 : i32 to index
      %swap3A_124 = tpu.vector_load %arg10[%swap3A_122, %swap3A_123] {strides = array<i32>} : memref<8x2048xf32, #tpu.memory_space<vmem>>, vector<16xf32>,
      tpu.vector_store %arg10[%swap3A_122, %swap3A_123], %broadcast_in_dim3A_97 {strides = array<i32>} : memref<8x2048xf32, #tpu.memory_space<vmem>>, vector<16xf32>,
      %swap3A_125 = arith.constant 7 : i32
      %swap3A_126 = arith.index_cast %swap3A_125 : i32 to index
      %swap3A_127 = arith.index_cast %add3A_96 : i32 to index
      %swap3A_128 = tpu.vector_load %arg10[%swap3A_126, %swap3A_127] {strides = array<i32>} : memref<8x2048xf32, #tpu.memory_space<vmem>>, vector<16xf32>,
      tpu.vector_store %arg10[%swap3A_126, %swap3A_127], %broadcast_in_dim3A_97 {strides = array<i32>} : memref<8x2048xf32, #tpu.memory_space<vmem>>, vector<16xf32>,
    }
    %scan3A_84 = arith.constant 128 : i32
    %scan3A_85 = arith.constant 0 : i32
    %scan3A_86 = arith.constant 256 : i32
    %scan3A_87 = arith.addi %scan3A_85, %scan3A_86 : i32
    %scan3A_88 = arith.constant 1 : i32
    scf.for %scan3A_92 = %scan3A_85 to %scan3A_87 step %scan3A_88  : i32 {
      %mul3A_93 = arith.constant 16 : i32
      %mul3A_94 = arith.muli %scan3A_92, %mul3A_93 : i32
      %add3A_95 = arith.constant 0 : i32
      %add3A_96 = arith.addi %add3A_95, %mul3A_94 : i32
      %get3A = arith.index_cast %add3A_96 : i32 to index
      %get3A_97 = tpu.vector_load %arg6[%get3A] {strides = array<i32>} : memref<4096xi32, #tpu.memory_space<vmem>>, vector<16xi32>,
      %get3A_98 = arith.index_cast %add3A_96 : i32 to index
      %get3A_99 = tpu.vector_load %arg7[%get3A_98] {strides = array<i32>} : memref<4096xf32, #tpu.memory_space<vmem>>, vector<16xf32>,
      %get3A_100 = arith.constant 0 : i32
      %get3A_101 = arith.index_cast %get3A_100 : i32 to index
      %get3A_102 = arith.index_cast %add3A_96 : i32 to index
      %get3A_103 = tpu.vector_load %arg9[%get3A_101, %get3A_102] {strides = array<i32>} : memref<8x4096xf32, #tpu.memory_space<vmem>>, vector<16xf32>,
      %mul3A_104 = arith.mulf %get3A_103, %get3A_99 : vector<16xf32>
      %broadcast_in_dim3A = arith.constant 0 : i32
      %broadcast_in_dim3A_105 = vector.broadcast %broadcast_in_dim3A : i32 to vector<16xi32>
      tpu.vector_store_idx %arg10[%broadcast_in_dim3A_105, %get3A_97], %mul3A_104 {add = true} : memref<8x2048xf32, #tpu.memory_space<vmem>>[vector<16xi32>, vector<16xi32>], vector<16xf32>,
      %get3A_106 = arith.constant 1 : i32
      %get3A_107 = arith.index_cast %get3A_106 : i32 to index
      %get3A_108 = arith.index_cast %add3A_96 : i32 to index
      %get3A_109 = tpu.vector_load %arg9[%get3A_107, %get3A_108] {strides = array<i32>} : memref<8x4096xf32, #tpu.memory_space<vmem>>, vector<16xf32>,
      %mul3A_110 = arith.mulf %get3A_109, %get3A_99 : vector<16xf32>
      %broadcast_in_dim3A_111 = arith.constant 1 : i32
      %broadcast_in_dim3A_112 = vector.broadcast %broadcast_in_dim3A_111 : i32 to vector<16xi32>
      tpu.vector_store_idx %arg10[%broadcast_in_dim3A_112, %get3A_97], %mul3A_110 {add = true} : memref<8x2048xf32, #tpu.memory_space<vmem>>[vector<16xi32>, vector<16xi32>], vector<16xf32>,
      %get3A_113 = arith.constant 2 : i32
      %get3A_114 = arith.index_cast %get3A_113 : i32 to index
      %get3A_115 = arith.index_cast %add3A_96 : i32 to index
      %get3A_116 = tpu.vector_load %arg9[%get3A_114, %get3A_115] {strides = array<i32>} : memref<8x4096xf32, #tpu.memory_space<vmem>>, vector<16xf32>,
      %mul3A_117 = arith.mulf %get3A_116, %get3A_99 : vector<16xf32>
      %broadcast_in_dim3A_118 = arith.constant 2 : i32
      %broadcast_in_dim3A_119 = vector.broadcast %broadcast_in_dim3A_118 : i32 to vector<16xi32>
      tpu.vector_store_idx %arg10[%broadcast_in_dim3A_119, %get3A_97], %mul3A_117 {add = true} : memref<8x2048xf32, #tpu.memory_space<vmem>>[vector<16xi32>, vector<16xi32>], vector<16xf32>,
      %get3A_120 = arith.constant 3 : i32
      %get3A_121 = arith.index_cast %get3A_120 : i32 to index
      %get3A_122 = arith.index_cast %add3A_96 : i32 to index
      %get3A_123 = tpu.vector_load %arg9[%get3A_121, %get3A_122] {strides = array<i32>} : memref<8x4096xf32, #tpu.memory_space<vmem>>, vector<16xf32>,
      %mul3A_124 = arith.mulf %get3A_123, %get3A_99 : vector<16xf32>
      %broadcast_in_dim3A_125 = arith.constant 3 : i32
      %broadcast_in_dim3A_126 = vector.broadcast %broadcast_in_dim3A_125 : i32 to vector<16xi32>
      tpu.vector_store_idx %arg10[%broadcast_in_dim3A_126, %get3A_97], %mul3A_124 {add = true} : memref<8x2048xf32, #tpu.memory_space<vmem>>[vector<16xi32>, vector<16xi32>], vector<16xf32>,
      %get3A_127 = arith.constant 4 : i32
      %get3A_128 = arith.index_cast %get3A_127 : i32 to index
      %get3A_129 = arith.index_cast %add3A_96 : i32 to index
      %get3A_130 = tpu.vector_load %arg9[%get3A_128, %get3A_129] {strides = array<i32>} : memref<8x4096xf32, #tpu.memory_space<vmem>>, vector<16xf32>,
      %mul3A_131 = arith.mulf %get3A_130, %get3A_99 : vector<16xf32>
      %broadcast_in_dim3A_132 = arith.constant 4 : i32
      %broadcast_in_dim3A_133 = vector.broadcast %broadcast_in_dim3A_132 : i32 to vector<16xi32>
      tpu.vector_store_idx %arg10[%broadcast_in_dim3A_133, %get3A_97], %mul3A_131 {add = true} : memref<8x2048xf32, #tpu.memory_space<vmem>>[vector<16xi32>, vector<16xi32>], vector<16xf32>,
      %get3A_134 = arith.constant 5 : i32
      %get3A_135 = arith.index_cast %get3A_134 : i32 to index
      %get3A_136 = arith.index_cast %add3A_96 : i32 to index
      %get3A_137 = tpu.vector_load %arg9[%get3A_135, %get3A_136] {strides = array<i32>} : memref<8x4096xf32, #tpu.memory_space<vmem>>, vector<16xf32>,
      %mul3A_138 = arith.mulf %get3A_137, %get3A_99 : vector<16xf32>
      %broadcast_in_dim3A_139 = arith.constant 5 : i32
      %broadcast_in_dim3A_140 = vector.broadcast %broadcast_in_dim3A_139 : i32 to vector<16xi32>
      tpu.vector_store_idx %arg10[%broadcast_in_dim3A_140, %get3A_97], %mul3A_138 {add = true} : memref<8x2048xf32, #tpu.memory_space<vmem>>[vector<16xi32>, vector<16xi32>], vector<16xf32>,
      %get3A_141 = arith.constant 6 : i32
      %get3A_142 = arith.index_cast %get3A_141 : i32 to index
      %get3A_143 = arith.index_cast %add3A_96 : i32 to index
      %get3A_144 = tpu.vector_load %arg9[%get3A_142, %get3A_143] {strides = array<i32>} : memref<8x4096xf32, #tpu.memory_space<vmem>>, vector<16xf32>,
      %mul3A_145 = arith.mulf %get3A_144, %get3A_99 : vector<16xf32>
      %broadcast_in_dim3A_146 = arith.constant 6 : i32
      %broadcast_in_dim3A_147 = vector.broadcast %broadcast_in_dim3A_146 : i32 to vector<16xi32>
      tpu.vector_store_idx %arg10[%broadcast_in_dim3A_147, %get3A_97], %mul3A_145 {add = true} : memref<8x2048xf32, #tpu.memory_space<vmem>>[vector<16xi32>, vector<16xi32>], vector<16xf32>,
      %get3A_148 = arith.constant 7 : i32
      %get3A_149 = arith.index_cast %get3A_148 : i32 to index
      %get3A_150 = arith.index_cast %add3A_96 : i32 to index
      %get3A_151 = tpu.vector_load %arg9[%get3A_149, %get3A_150] {strides = array<i32>} : memref<8x4096xf32, #tpu.memory_space<vmem>>, vector<16xf32>,
      %mul3A_152 = arith.mulf %get3A_151, %get3A_99 : vector<16xf32>
      %broadcast_in_dim3A_153 = arith.constant 7 : i32
      %broadcast_in_dim3A_154 = vector.broadcast %broadcast_in_dim3A_153 : i32 to vector<16xi32>
      tpu.vector_store_idx %arg10[%broadcast_in_dim3A_154, %get3A_97], %mul3A_152 {add = true} : memref<8x2048xf32, #tpu.memory_space<vmem>>[vector<16xi32>, vector<16xi32>], vector<16xf32>,
    }
    %scan3A_89 = arith.constant 256 : i32
    %add3A_90 = arith.constant 24 : i32
    %add3A_91 = arith.addi %mul3A_6, %add3A_90 : i32
    "tpu.region"() ({
      %run_scoped3A = tpu.sem_alloc : memref<!tpu.dma_semaphore, #tpu.memory_space<semaphore_mem>>
      %dma_start3A_92 = arith.constant 0 : i32
      %dma_start3A_93 = tpu.memref_slice %arg5[%add3A_91, %dma_start3A_92] : memref<1024x2048xf32, #tpu.memory_space<hbm>> -> memref<8x2048xf32, #tpu.memory_space<hbm>>
      %dma_start3A_94 = arith.constant 0 : i32
      %dma_start3A_95 = tpu.memref_slice %arg5[%add3A_91, %dma_start3A_94] : memref<1024x2048xf32, #tpu.memory_space<hbm>> -> memref<8x2048xf32, #tpu.memory_space<hbm>>
      tpu.enqueue_dma source(%arg10 : memref<8x2048xf32, #tpu.memory_space<vmem>>) target(%dma_start3A_95 : memref<8x2048xf32, #tpu.memory_space<hbm>>) target_semaphore(%run_scoped3A : memref<!tpu.dma_semaphore, #tpu.memory_space<semaphore_mem>>)
      %dma_wait3A_96 = arith.constant 0 : i32
      %dma_wait3A_97 = tpu.memref_slice %arg5[%add3A_91, %dma_wait3A_96] : memref<1024x2048xf32, #tpu.memory_space<hbm>> -> memref<8x2048xf32, #tpu.memory_space<hbm>>
      %dma_wait3A_98 = arith.constant 0 : i32
      %dma_wait3A_99 = tpu.memref_slice %arg5[%add3A_91, %dma_wait3A_98] : memref<1024x2048xf32, #tpu.memory_space<hbm>> -> memref<8x2048xf32, #tpu.memory_space<hbm>>
      tpu.wait_dma2 semaphore(%run_scoped3A : memref<!tpu.dma_semaphore, #tpu.memory_space<semaphore_mem>>) src(%arg10 : memref<8x2048xf32, #tpu.memory_space<vmem>>) dst(%dma_wait3A_99 : memref<8x2048xf32, #tpu.memory_space<hbm>>)
      tpu.yield
    }) : () -> ()
    return
  }
}

module attributes {stable_mosaic.version = 14 : i64} {
  func.func @_tc_body(%arg0: i32, %arg1: memref<4096x1xi32, #tpu.memory_space<vmem>>, %arg2: memref<4096x1xf32, #tpu.memory_space<vmem>>, %arg3: memref<256x4096xf32, #tpu.memory_space<vmem>>, %arg4: memref<256x2048xf32, #tpu.memory_space<vmem>>, %arg5: memref<4096x2048xbf16, #tpu.memory_space<vmem>>) attributes {dimension_semantics = [#tpu.dimension_semantics<arbitrary>], iteration_bounds = array<i64: 13>, scalar_prefetch = 0 : i64, scratch_operands = 1 : i64, tpu.core_type = #tpu.core_type<tc>, window_params = [{pipeline_mode = #tpu.pipeline_mode<synchronous>, transform_indices = @transform_0, window_bounds = array<i64: 4096, 1>}, {pipeline_mode = #tpu.pipeline_mode<synchronous>, transform_indices = @transform_1, window_bounds = array<i64: 4096, 1>}, {transform_indices = @transform_2, window_bounds = array<i64: 256, 4096>}, {transform_indices = @transform_3, window_bounds = array<i64: 256, 2048>}]} {
    %eq3A = arith.constant 0 : i32
    %eq3A_0 = arith.cmpi eq, %arg0, %eq3A : i32
    %convert_element_type3A = arith.extui %eq3A_0 : i1 to i32
    %cond3A = arith.constant 0 : i32
    %cond3A_1 = arith.cmpi ne, %convert_element_type3A, %cond3A : i32
    scf.if %cond3A_1 {
      %iota3A = tpu.iota {dimensions = array<i32: 1>} : vector<4096x2048xi32>
      %get3A = arith.constant 0 : index
      %get3A_6 = arith.constant 0 : index
      %get3A_7 = vector.load %arg1[%get3A, %get3A_6] : memref<4096x1xi32, #tpu.memory_space<vmem>>, vector<4096x1xi32>
      %eq3A_8 = vector.broadcast %get3A_7 : vector<4096x1xi32> to vector<4096x2048xi32>
      %eq3A_9 = arith.cmpi eq, %eq3A_8, %iota3A : vector<4096x2048xi32>
      %get3A_10 = arith.constant 0 : index
      %get3A_11 = arith.constant 0 : index
      %get3A_12 = vector.load %arg2[%get3A_10, %get3A_11] : memref<4096x1xf32, #tpu.memory_space<vmem>>, vector<4096x1xf32>
      %jit3A = arith.constant 0.000000e+00 : f32
      %broadcast_in_dim3A = vector.shape_cast %get3A_12 : vector<4096x1xf32> to vector<4096x1xf32>
      %broadcast_in_dim3A_13 = vector.broadcast %broadcast_in_dim3A : vector<4096x1xf32> to vector<4096x2048xf32>
      %broadcast_in_dim3A_14 = vector.broadcast %jit3A : f32 to vector<4096x2048xf32>
      %select_n3A = arith.select %eq3A_9, %broadcast_in_dim3A_13, %broadcast_in_dim3A_14 : vector<4096x2048xi1>, vector<4096x2048xf32>
      %convert_element_type3A_15 = arith.truncf %select_n3A : vector<4096x2048xf32> to vector<4096x2048xbf16>
      %swap3A = arith.constant 0 : index
      %swap3A_16 = arith.constant 0 : index
      %swap3A_17 = vector.load %arg5[%swap3A, %swap3A_16] : memref<4096x2048xbf16, #tpu.memory_space<vmem>>, vector<4096x2048xbf16>
      tpu.vector_store %arg5[%swap3A, %swap3A_16], %convert_element_type3A_15 {strides = array<i32>} : memref<4096x2048xbf16, #tpu.memory_space<vmem>>, vector<4096x2048xbf16>,
    } else {
    }
    %gt3A = arith.constant 0 : i32
    %gt3A_2 = arith.cmpi sgt, %arg0, %gt3A : i32
    %convert_element_type3A_3 = arith.extui %gt3A_2 : i1 to i32
    %cond3A_4 = arith.constant 0 : i32
    %cond3A_5 = arith.cmpi ne, %convert_element_type3A_3, %cond3A_4 : i32
    scf.if %cond3A_5 {
      %get3A = arith.constant 0 : index
      %get3A_6 = arith.constant 0 : index
      %get3A_7 = vector.load %arg3[%get3A, %get3A_6] : memref<256x4096xf32, #tpu.memory_space<vmem>>, vector<256x4096xf32>
      %convert_element_type3A_8 = arith.truncf %get3A_7 : vector<256x4096xf32> to vector<256x4096xbf16>
      %get3A_9 = arith.constant 0 : index
      %get3A_10 = arith.constant 0 : index
      %get3A_11 = vector.load %arg5[%get3A_9, %get3A_10] : memref<4096x2048xbf16, #tpu.memory_space<vmem>>, vector<4096x2048xbf16>
      %dot_general3A = arith.constant dense<0.000000e+00> : vector<256x2048xf32>
      %dot_general3A_12 = tpu.matmul %convert_element_type3A_8, %get3A_11, %dot_general3A {dimension_numbers = #tpu.dot_dimension_numbers<[1], [0], [0], [1], [0, 0, 1, 1], [], []>, transpose_lhs_hint = false} : vector<256x4096xbf16>, vector<4096x2048xbf16>, vector<256x2048xf32> -> vector<256x2048xf32>
      %swap3A = arith.constant 0 : index
      %swap3A_13 = arith.constant 0 : index
      %swap3A_14 = vector.load %arg4[%swap3A, %swap3A_13] : memref<256x2048xf32, #tpu.memory_space<vmem>>, vector<256x2048xf32>
      tpu.vector_store %arg4[%swap3A, %swap3A_13], %dot_general3A_12 {strides = array<i32>} : memref<256x2048xf32, #tpu.memory_space<vmem>>, vector<256x2048xf32>,
    } else {
    }
    return
  }
  func.func @transform_0(%arg0: i32) -> (i32, i32) {
    %c0_i32 = arith.constant 0 : i32
    %c0_i32_0 = arith.constant 0 : i32
    %c0_i32_1 = arith.constant 0 : i32
    return %c0_i32, %c0_i32_0 : i32, i32
  }
  func.func @transform_1(%arg0: i32) -> (i32, i32) {
    %c0_i32 = arith.constant 0 : i32
    %c0_i32_0 = arith.constant 0 : i32
    %c0_i32_1 = arith.constant 0 : i32
    return %c0_i32, %c0_i32_0 : i32, i32
  }
  func.func @transform_2(%arg0: i32) -> (i32, i32) {
    %sub3A = arith.constant 1 : i32
    %sub3A_0 = arith.subi %arg0, %sub3A : i32
    %max3A = arith.constant 0 : i32
    %max3A_1 = arith.maxsi %sub3A_0, %max3A : i32
    %c0_i32 = arith.constant 0 : i32
    %c0_i32_2 = arith.constant 0 : i32
    return %max3A_1, %c0_i32 : i32, i32
  }
  func.func @transform_3(%arg0: i32) -> (i32, i32) {
    %sub3A = arith.constant 1 : i32
    %sub3A_0 = arith.subi %arg0, %sub3A : i32
    %max3A = arith.constant 0 : i32
    %max3A_1 = arith.maxsi %sub3A_0, %max3A : i32
    %c0_i32 = arith.constant 0 : i32
    %c0_i32_2 = arith.constant 0 : i32
    return %max3A_1, %c0_i32 : i32, i32
  }
}

</mosaic_0001>

<sc_bundles>
// kernel: kernel.4.cloned.1.call-start
scs
__scs_entry_jumppad:
0x0: {  	(pc) =	sbr.rel $0x88, $3  }
0x1: {  	(tag) =	ssettag $0x0;
	lr =	simm.s32 $0x1  }
0x2: {  	[smem:$0x3F9E] =	sst lr;
	_ =	strace $0xD0000000  }
0x3: {  	_ = 	snop  }
0x4: {  	_ = 	snop  }
0x5: {  	_ = 	snop  }
0x6: {  	_ = 	snop  }
0x7: {  	_ = 	snop  }
__scs_overlays_trampoline_lowered:
0x8: {  	[smem:$0x3FAD] =	sst s0  }
0x9: {  	[smem:$0x3FAE] =	sst s1  }
0xa: {  	[smem:$0x3FAF] =	sst s2  }
0xb: {  	[smem:$0x3FB0] =	sst s3  }
0xc: {  	[smem:$0x3FB1] =	sst s4  }
0xd: {  	[smem:$0x3FB2] =	sst s5  }
0xe: {  	[smem:$0x3FB3] =	sst s6  }
0xf: {  	[smem:$0x3FB4] =	sst s7  }
0x10: {  	[smem:$0x3FB5] =	sst s8  }
0x11: {  	[smem:$0x3FB6] =	sst s9;
	s0 =	simm.s32 @!p0 $0x0  }
0x12: {  	s1 =	sld [smem:$0x3F9C];
	s0 =	simm.s32 @p0 $0x1  }
0x13: {  	[smem:$0x3FB7] =	sst s0;
	s0 =	simm.s32 @!p1 $0x0  }
0x14: {  	s2 =	sld [smem:$0x3F9B];
	s0 =	simm.s32 @p1 $0x1  }
0x15: {  	[smem:$0x3FB8] =	sst s0;
	s0 =	simm.s32 @!p2 $0x0  }
0x16: {  	s3 =	sld [smem:$0x3FDB];
	s0 =	simm.s32 @p2 $0x1  }
0x17: {  	s4 =	simm.s32 $0x1BF5;
	[smem:$0x3FBA] =	sst s0  }
0x18: {  	s0 =	sld [smem:$0x3F9D];
	_ =	swait.ge [sflag:s4], $0x0  }
0x19: {  	s7 =	sld [smem:$0x3F9E]  }
0x1a: {  	s8 =	sadd.s32 $0xFFFFE003, lr  }
0x1b: {  	s9 =	sadd.s32 $0xFFFFFEF7, lr;
	s5 =	simm.s32 $0xFFFFFFFF;
	p2 =	slt.u32 s8, $0xFFFFF086  }
0x1c: {  	p1 =	slt.u32 s9, $0xF7A;
	s5 =	simm.s32 @!p2 $0x0  }
0x1d: {  	s5 =	simm.s32 @p1 $0x1;
	p0 =	seq.s32 s7, s2  }
0x1e: {  	s7 =	smul.u32 @!p0 $0xF7A, s2;
	p2 =	seq.s32 @!p0 s5, $0x0  }
0x1f: {  	s9 =	smul.u32 $0xF7A, s1;
	s8 =	simm.s32 @!p0 $0x1BF5;
	p2 =	por !p2, p0  }
0x20: {  	[sflag:s8] =	ssyncset.s32 @!p0 $0xFFFFF086;
	s6 =	sadd.s32 @!p0 s3, s7;
	s7 =	simm.s32 @!p0 $0x108  }
0x21: {  	s3 =	sadd.s32 s3, s9;
	s6 =	sadd.s32 @!p0 $0x88, s6;
	s7 =	simm.s32 @p2 $0x1082  }
0x22: {  	[simem:s7], [sflag:s8] =	dma.local @!p0 [hbm:s6], $0xF7A  }
0x23: {  	s9 =	sor.u32 $0xD0000000, s2;
	s6 =	simm.s32 $0x108;
	_ =	swait.ge @!p0 [sflag:s8], $0x0  }
0x24: {  	s3 =	sadd.s32 $0x88, s3;
	s6 =	simm.s32 @!p1 $0x1082;
	[sflag:s4] =	ssyncset.s32 $0xFFFFF086  }
0x25: {  	[simem:s6], [sflag:s4] =	dma.local [hbm:s3], $0xF7A  }
0x26: {  	[smem:$0x3F9E] =	sst s1;
	(tag) =	ssettag s2;
	_ =	strace s9  }
0x27: {  	s1 =	sld [smem:$0x3FAE]  }
0x28: {  	s2 =	sld [smem:$0x3FAF]  }
0x29: {  	s4 =	sld [smem:$0x3FB1]  }
0x2a: {  	p0 =	seq.s32 s5, $0x0;
	s5 =	sld [smem:$0x3FB2]  }
0x2b: {  	s6 =	sld [smem:$0x3FB3]  }
0x2c: {  	s7 =	sld [smem:$0x3FB4]  }
0x2d: {  	s3 =	simm.s32 $0x108;
	s8 =	sld [smem:$0x3FB5]  }
0x2e: {  	s3 =	simm.s32 @!p0 $0x1082;
	s9 =	sld [smem:$0x3FB6]  }
0x2f: {  	lr =	sadd.s32 s0, s3;
	s0 =	sld [smem:$0x3FAD]  }
0x30: {  	s3 =	sld [smem:$0x3FB0]  }
0x31: {  	[smem:$0x3FB9] =	sst s10  }
0x32: {  	s10 =	sld [smem:$0x3FB7];
	_ =	sdelay $0x3  }
0x33: {  	p0 =	seq.s32 s10, $0x1;
	s10 =	sld [smem:$0x3FB9];
	_ =	sdelay $0x3  }
0x34: {  	[smem:$0x3FB9] =	sst s10  }
0x35: {  	s10 =	sld [smem:$0x3FB8];
	_ =	sdelay $0x3  }
0x36: {  	p1 =	seq.s32 s10, $0x1;
	s10 =	sld [smem:$0x3FB9];
	_ =	sdelay $0x3  }
0x37: {  	[smem:$0x3FB9] =	sst s10  }
0x38: {  	s10 =	sld [smem:$0x3FBA]  }
0x39: {  	_ = 	snop;
	(pc) =	sbr.ind lr, $3  }
0x3a: {  	_ = 	snop  }
0x3b: {  	_ = 	snop  }
0x3c: {  	p2 =	seq.s32 s10, $0x1;
	s10 =	sld [smem:$0x3FB9]  }
0x3d: {  	_ =	shalt  }
0x3e: {  	_ =	shalt  }
0x3f: {  	_ =	shalt  }
0x40: {  	_ =	shalt  }
0x41: {  	_ =	shalt  }
0x42: {  	_ =	shalt  }
0x43: {  	_ =	shalt  }
0x44: {  	_ =	shalt  }
0x45: {  	_ =	shalt  }
0x46: {  	_ =	shalt  }
0x47: {  	_ =	shalt  }
0x48: {  	_ =	shalt  }
0x49: {  	_ =	shalt  }
0x4a: {  	_ =	shalt  }
0x4b: {  	_ =	shalt  }
0x4c: {  	_ =	shalt  }
0x4d: {  	_ =	shalt  }
0x4e: {  	_ =	shalt  }
0x4f: {  	_ =	shalt  }
0x50: {  	_ =	shalt  }
0x51: {  	_ =	shalt  }
0x52: {  	_ =	shalt  }
0x53: {  	_ =	shalt  }
0x54: {  	_ =	shalt  }
0x55: {  	_ =	shalt  }
0x56: {  	_ =	shalt  }
0x57: {  	_ =	shalt  }
0x58: {  	_ =	shalt  }
0x59: {  	_ =	shalt  }
0x5a: {  	_ =	shalt  }
0x5b: {  	_ =	shalt  }
0x5c: {  	_ =	shalt  }
0x5d: {  	_ =	shalt  }
0x5e: {  	_ =	shalt  }
0x5f: {  	_ =	shalt  }
0x60: {  	_ =	shalt  }
0x61: {  	_ =	shalt  }
0x62: {  	_ =	shalt  }
0x63: {  	_ =	shalt  }
0x64: {  	_ =	shalt  }
0x65: {  	_ =	shalt  }
0x66: {  	_ =	shalt  }
0x67: {  	_ =	shalt  }
0x68: {  	_ =	shalt  }
0x69: {  	_ =	shalt  }
0x6a: {  	_ =	shalt  }
0x6b: {  	_ =	shalt  }
0x6c: {  	_ =	shalt  }
0x6d: {  	_ =	shalt  }
0x6e: {  	_ =	shalt  }
0x6f: {  	_ =	shalt  }
0x70: {  	_ =	shalt  }
0x71: {  	_ =	shalt  }
0x72: {  	_ =	shalt  }
0x73: {  	_ =	shalt  }
0x74: {  	_ =	shalt  }
0x75: {  	_ =	shalt  }
0x76: {  	_ =	shalt  }
0x77: {  	_ =	shalt  }
0x78: {  	_ =	shalt  }
0x79: {  	_ =	shalt  }
0x7a: {  	_ =	shalt  }
0x7b: {  	_ =	shalt  }
0x7c: {  	_ =	shalt  }
0x7d: {  	_ =	shalt  }
0x7e: {  	_ =	shalt  }
0x7f: {  	_ =	shalt  }
0x80: {  	_ =	shalt  }
0x81: {  	_ =	shalt  }
0x82: {  	_ =	shalt  }
0x83: {  	_ =	shalt  }
0x84: {  	_ =	shalt  }
0x85: {  	_ =	shalt  }
0x86: {  	_ =	shalt  }
0x87: {  	_ =	shalt  }
.Lfunc_end0:
.L_simem_size_0:
called_computation_lowered:
.L_overlay_start_0:
0x88: {  	s2 =	sld [smem:$0x3FD9]  }
0x89: {  	s3 =	sld [smem:$0x3FFE];
	_ =	sdelay $0x1  }
0x8a: {  	s1 =	srdreg.scid  }
0x8b: {  	s0 =	sand.u32 $0x1, s1  }
0x8c: {  	s17 =	sshll.u32 s0, $0xA;
	s2 =	sadd.s32 s3, s2  }
0x8d: {  	s2 =	sadd.s32 s2, s17  }
0x8e: {  	[smem:$0x3FC5] =	sst s2  }
0x8f: {  	_ = 	snop  }
0x90: {  	s2 =	sld [smem:$0x3FC9]  }
0x91: {  	s18 =	sld [smem:$0x3FC8]  }
0x92: {  	s4 =	sld [smem:$0x3FC7];
	(tm) =	ssettm $0x1  }
0x93: {  	s5 =	sld [smem:$0x3FFB];
	_ =	sdelay $0x3  }
0x94: {  	_ =	strace s5  }
0x95: {  	s5 =	sld [smem:$0x3FFC];
	_ =	sdelay $0x3  }
0x96: {  	_ =	strace s5  }
0x97: {  	s5 =	sld [smem:$0x3FFD];
	_ =	sdelay $0x3  }
0x98: {  	_ =	strace s5  }
0x99: {  	_ =	strace $0x8FFFFFFF  }
0x9a: {  	s19 =	sld [smem:$0x3FDB];
	_ =	sdelay $0x1  }
0x9b: {  	s6 =	simm.s32 $_scs_section_size  }
0x9c: {  	s7 =	simm.s32 $_size__tile_overlayer_lowered;
	s8 =	simm.s32 $_tile_overlayer_lowered  }
0x9d: {  	s22 =	simm.s32 $0x1BFF;
	s21 =	sshll.u32 s8, $0x1;
	s5 =	sadd.s32 s6, s19  }
0x9e: {  	s9 =	simm.s32 $0x0;
	s20 =	sshll.u32 s7, $0x1;
	s7 =	sadd.s32 s21, s5  }
0x9f: {  	[timem:s9], [sflag:s22] =	dma.local [hbm:s7], s20  }
0xa0: {  	_ =	swait.ge [sflag:s22], s20  }
0xa1: {  	s6 =	ssub.s32 $0x0, s20;
	[sflag:s22] =	ssyncset.done $0x0  }
0xa2: {  	[sflag:s22] =	ssyncadd.s32 s6;
	_ =	sdelay $0x1  }
0xa3: {  	s23 =	simm.s32 $0x1B8B  }
0xa4: {  	_ =	swait.ge [sflag:s23], $0x1  }
0xa5: {  	[sflag:s23] =	ssyncset.done $0x0  }
0xa6: {  	s25 =	simm.s32 $0x1B8E;
	s24 =	sld [smem:$0x3FFE];
	[sflag:s23] =	ssyncadd.s32 $0xFFFFFFFF  }
0xa7: {  	s26 =	simm.s32 $execute0_lowered;
	[smem:$0x3FD2] =	sst s25  }
0xa8: {  	s7 =	sshll.u32 s26, $0x1;
	_ =	strace $0x80000046;
	[dreg:$0x1] =	wrdreg $0xFFFFFFFF  }
0xa9: {  	s28 =	simm.s32 $_size_execute0_lowered;
	s5 =	sadd.s32 s5, s7;
	[dreg:$0x0] =	wrdreg $0x0  }
0xaa: {  	s7 =	sshll.u32 s28, $0x1;
	[dreg:$0x2] =	wrdreg s5  }
0xab: {  	[dreg:$0x3] =	wrdreg s7  }
0xac: {  	[dreg:$0x4] =	wrdreg $0xC0  }
0xad: {  	_ =	task [dreg:s9], $0x5FFFF  }
0xae: {  	[dreg:$0x1] =	wrdreg $0xFFFFFFFF  }
0xaf: {  	[dreg:$0x0] =	wrdreg $0x60  }
0xb0: {  	[dreg:$0x2] =	wrdreg s2  }
0xb1: {  	[dreg:$0x3] =	wrdreg s18  }
0xb2: {  	[dreg:$0x4] =	wrdreg s4  }
0xb3: {  	[dreg:$0x5] =	wrdreg s24  }
0xb4: {  	[dreg:$0x6] =	wrdreg $0x9  }
0xb5: {  	_ =	task.clear_ibuf [dreg:s9], $0x7FFFF;
	_ =	strace $0x90000046  }
0xb6: {  	s29 =	simm.s32 $0x9;
	_ =	strace $0x80000048  }
0xb7: {  	_ =	swait.ge [sflag:s29], $0x1  }
0xb8: {  	[sflag:s29] =	ssyncadd.s32 $0xFFFFFFFF  }
0xb9: {  	_ =	strace $0x90000048  }
0xba: {  	_ =	sfence  }
0xbb: {  	s30 =	sld [smem:$0x0];
	_ =	sdelay $0x2  }
0xbc: {  	s31 =	sshll.u32 s1, $0xD;
	s1 =	sshrl.u32 s1, $0x2  }
0xbd: {  	s3 =	sand.u32 $0x4000, s31;
	s1 =	sadd.s32 s1, s30  }
0xbe: {  	s0 =	sor.u32 s3, s0;
	s1 =	sshll.u32 s1, $0x11  }
0xbf: {  	s0 =	sor.u32 s1, s0  }
0xc0: {  	s0 =	sadd.s32 $0x8F2B, s0  }
0xc1: {  	[sflag:s0] =	ssyncadd.remote.s32 $0x1  }
0xc2: {  	_ =	sfence.sel $0xFFFF  }
0xc3: {  	[dreg:$0x0] =	wrdreg $0xFFFFFFFF;
	(pc) =	sbr.abs _section_cstart, $3  }
0xc4: {  	[dreg:$0x1] =	wrdreg $0xFFFFFFFF  }
0xc5: {  	_ =	task.clear_ibuf [dreg:s9], $0x2FFFF;
	_ =	strace $0x9FFFFFFF  }
0xc6: {  	(tm) =	ssettm $0x7FFFFFFF  }
0xc7: {  	_ =	shalt  }
tec
execute0_lowered:
.L_overlay_start_1:
0x0: {  	(tag) =	ssettag $0x1  }
0x1: {  	s5 =	rddreg [dreg:$0x0]  }
0x2: {  	s1 =	rddreg [dreg:$0x1]  }
0x3: {  	s2 =	rddreg [dreg:$0x2]  }
0x4: {  	s6 =	rddreg [dreg:$0x3]  }
0x5: {  	s7 =	srdreg.scid;
	s4 =	simm.s32 $0x0;
	s3 =	stileid.u32  }
0x6: {  	s14 =	simm.s32 $0x3;
	s15 =	simm.s32 $0x1000;
	s16 =	simm.s32 $0x2000  }
0x7: {  	s17 =	simm.s32 $0xA000;
	s18 =	simm.s32 $0x1;
	s19 =	simm.s32 $0x12000  }
0x8: {  	s20 =	simm.s32 $0x2;
	s21 =	simm.s32 $0x0;
	s7 =	sand.u32 $0x1, s7  }
0x9: {  	[smem:$0x7FF] =	sst s4;
	s8 =	sshll.u32 s3, $0x6;
	s9 =	sshll.u32 s7, $0x5  }
0xa: {  	_ =	strace $0x80000047;
	s7 =	ssub.s32 $0x2, s7;
	s8 =	sor.u32 s9, s8  }
0xb: {  	s31 =	sshrl.u32 s7, $0x1;
	s9 =	sshll.u32 s8, $0x8;
	s8 =	sshll.u32 s8, $0x9  }
0xc: {  	s13 =	ssub.s32 s7, s31;
	s12 =	sadd.s32 s9, s6;
	s10 =	sadd.s32 s8, s5  }
0xd: {  	s13 =	smax.u32 s13, $0x1;
	s5 =	sadd.s32 $0x180000, s10;
	s6 =	sadd.s32 $0x181000, s10  }
0xe: {  	s7 =	sadd.s32 $0x800, s12;
	s8 =	sadd.s32 $0x182000, s10;
	s9 =	sadd.s32 $0x1000, s12  }
0xf: {  	v0 =	vimm.f32 $0.0e+00;
	s10 =	sadd.s32 $0x183000, s10;
	s11 =	sadd.s32 $0x1800, s12;
	s12 =	sadd.s32 $0x2000, s12  }
.LBB2_1:
0x10: {  	[tilespmem:s4], [sflag:$0x3] =	stream.linear.gather [hbm4b:s1+s4], $0x1000, $0x38;
	[tilespmem:$0x16000] =	vst v63  }
0x11: {  	_ =	swait.ge [sflag:s14], $0x1000  }
0x12: {  	[sflag:s14] =	ssyncset.done $0x0  }
0x13: {  	[sflag:s14] =	ssyncadd.s32 $0xFFFFF000  }
0x14: {  	[tilespmem:s15], [sflag:$0x3] =	stream.linear.gather [hbm4b:s2+s4], $0x1000, $0x38;
	[tilespmem:$0x16000] =	vst v63  }
0x15: {  	_ =	swait.ge [sflag:s14], $0x1000  }
0x16: {  	[sflag:s14] =	ssyncset.done $0x0  }
0x17: {  	[sflag:s14] =	ssyncadd.s32 $0xFFFFF000  }
0x18: {  	[tilespmem:s16], [sflag:$0x1] =	stream.linear.gather [hbm4b:s5+s4], $0x8000, $0x38;
	[tilespmem:$0x16000] =	vst v63  }
0x19: {  	_ = 	snop  }
0x1a: {  	[tilespmem:s17], [sflag:$0x2] =	stream.linear.gather [hbm4b:s6+s4], $0x8000, $0x38;
	[tilespmem:$0x16000] =	vst v63  }
0x1b: {  	s22 =	sand.u32 $0x70, s4;
	s23 =	sand.u32 $0x3C00, s4;
	_ =	swait.ge [sflag:s18], $0x8000  }
0x1c: {  	s22 =	sor.u32 s22, s23;
	[sflag:s18] =	ssyncset.done $0x0  }
0x1d: {  	s23 =	sadd.s32 $0x12000, s22;
	[sflag:s18] =	ssyncadd.s32 $0xFFFF8000  }
0x1e: {  	[tilespmem:s23+$0x80] =	vst v0  }
0x1f: {  	[tilespmem:s23+$0x100] =	vst v0  }
0x20: {  	s29 =	sand.u32 $0x7, s4;
	s24 =	simm.s32 $0x10;
	[tilespmem:s23+$0x180] =	vst v0  }
0x21: {  	s25 =	simm.s32 $0x0;
	s28 =	simm.s32 $0x0;
	s26 =	simm.s32 $0x0;
	[tilespmem:s23+$0x200] =	vst v0  }
.LBB2_2:
0x22: {  	p0 =	sne.s32 s24, $0x7F0;
	s29 =	sshll.u32 s29, $0x4;
	[tilespmem:s23+$0x280] =	vst v0;
	s25 =	sadd.s32 $0x80, s25  }
0x23: {  	s30 =	sand.u32 $0x70, s24;
	s31 =	sand.u32 $0x3C00, s25;
	s28 =	sadd.s32 s29, s28;
	[tilespmem:s23+$0x300] =	vst v0  }
0x24: {  	[tilespmem:s22+$0x12000] =	vst v0;
	s22 =	sor.u32 s30, s31;
	s29 =	sor.u32 $0x380, s28;
	s28 =	smov.u32 s25  }
.Ltmp0:
0x25: {  	s23 =	sadd.s32 $0x12000, s22;
	[tilespmem:s29+$0x12000] =	vst v0;
	(pc) =	sbr.rel @p0 .LBB2_2-.Ltmp0, $4  }
0x26: {  	[tilespmem:s23+$0x80] =	vst v0  }
0x27: {  	[tilespmem:s23+$0x100] =	vst v0  }
0x28: {  	s26 =	sadd.s32 $0x1, s26;
	[tilespmem:s23+$0x180] =	vst v0  }
0x29: {  	s24 =	sadd.s32 $0x10, s24;
	s29 =	sand.u32 $0x7, s26;
	[tilespmem:s23+$0x200] =	vst v0  }
0x2a: {  	s24 =	sshll.u32 s29, $0x4;
	[tilespmem:s23+$0x280] =	vst v0  }
0x2b: {  	[tilespmem:s23+$0x300] =	vst v0;
	s24 =	sadd.s32 s24, s28  }
0x2c: {  	[tilespmem:s22+$0x12000] =	vst v0;
	s26 =	sor.u32 $0x380, s24  }
0x2d: {  	s22 =	simm.s32 $0x0;
	[tilespmem:s26+$0x12000] =	vst v0  }
0x2e: {  	v1 =	vld [tilespmem:s22+$0x0];
	_ =	sdelay $0x2  }
0x2f: {  	s28 =	simm.s32 $0x1000;
	s29 =	sand.u32 $0x70, s22;
	s25 =	sand.u32 $0x7C00, s22  }
0x30: {  	s30 =	sor.u32 s29, s25;
	v2 =	vld [tilespmem:s28+$0x0]  }
0x31: {  	v3 =	vld [tilespmem:s30+$0x2000];
	v4 =	vshll.u32 v1, $0x3  }
0x32: {  	v1 =	vand.u32 $0x7F, v1;
	v4 =	vand.u32 $0xFFFFFC00, v4  }
0x33: {  	v1 =	vor.u32 v1, v4;
	_ =	sdelay $0x2  }
0x34: {  	v3 =	vmul.f32 v3, v2;
	_ =	sdelay $0x1  }
0x35: {  	[tilespmem:v1+s19+$0x0] =	vst.idx.add.f32.msk $0xffff, v3  }
0x36: {  	v3 =	vld [tilespmem:s30+$0x2080];
	_ =	sdelay $0x1  }
0x37: {  	v4 =	vor.u32 $0x80, v1;
	_ =	sdelay $0x2  }
0x38: {  	v3 =	vmul.f32 v3, v2;
	_ =	sdelay $0x1  }
0x39: {  	[tilespmem:v4+s19+$0x0] =	vst.idx.add.f32.msk $0xffff, v3  }
0x3a: {  	v3 =	vld [tilespmem:s30+$0x2100];
	_ =	sdelay $0x1  }
0x3b: {  	v59 =	vor.u32 $0x100, v1;
	_ =	sdelay $0x2  }
0x3c: {  	v3 =	vmul.f32 v3, v2;
	_ =	sdelay $0x1  }
0x3d: {  	[tilespmem:v59+s19+$0x0] =	vst.idx.add.f32.msk $0xffff, v3  }
0x3e: {  	v3 =	vld [tilespmem:s30+$0x2180];
	_ =	sdelay $0x1  }
0x3f: {  	v60 =	vor.u32 $0x180, v1;
	_ =	sdelay $0x2  }
0x40: {  	v3 =	vmul.f32 v3, v2;
	_ =	sdelay $0x1  }
0x41: {  	[tilespmem:v60+s19+$0x0] =	vst.idx.add.f32.msk $0xffff, v3  }
0x42: {  	v3 =	vld [tilespmem:s30+$0x2200];
	_ =	sdelay $0x1  }
0x43: {  	v61 =	vor.u32 $0x200, v1;
	_ =	sdelay $0x2  }
0x44: {  	v3 =	vmul.f32 v3, v2;
	_ =	sdelay $0x1  }
0x45: {  	[tilespmem:v61+s19+$0x0] =	vst.idx.add.f32.msk $0xffff, v3  }
0x46: {  	v3 =	vld [tilespmem:s30+$0x2280];
	_ =	sdelay $0x1  }
0x47: {  	v62 =	vor.u32 $0x280, v1;
	_ =	sdelay $0x2  }
0x48: {  	v3 =	vmul.f32 v3, v2;
	_ =	sdelay $0x1  }
0x49: {  	[tilespmem:v62+s19+$0x0] =	vst.idx.add.f32.msk $0xffff, v3  }
0x4a: {  	v3 =	vld [tilespmem:s30+$0x2300];
	_ =	sdelay $0x1  }
0x4b: {  	v63 =	vor.u32 $0x300, v1;
	_ =	sdelay $0x1  }
0x4c: {  	s31 =	sand.u32 $0x7, s22  }
0x4d: {  	s23 =	sshll.u32 s31, $0x4;
	v3 =	vmul.f32 v3, v2  }
0x4e: {  	s23 =	sadd.s32 $0x0, s23  }
0x4f: {  	s23 =	sor.u32 $0x380, s23;
	[tilespmem:v63+s19+$0x0] =	vst.idx.add.f32.msk $0xffff, v3  }
0x50: {  	v3 =	vld [tilespmem:s23+$0x2000];
	_ =	sdelay $0x1  }
0x51: {  	v1 =	vor.u32 $0x380, v1;
	_ =	sdelay $0x2  }
0x52: {  	s24 =	simm.s32 $0x1010;
	v2 =	vmul.f32 v3, v2  }
0x53: {  	s25 =	simm.s32 $0x0;
	s26 =	simm.s32 $0x0;
	s23 =	simm.s32 $0x10  }
.LBB2_4:
0x54: {  	[tilespmem:v1+s19+$0x0] =	vst.idx.add.f32.msk $0xffff, v2;
	s22 =	sadd.s32 $0x80, s22;
	s25 =	sadd.s32 $0x1, s25;
	s26 =	sadd.s32 $0x10, s26  }
0x55: {  	p0 =	sne.s32 s23, $0xFF0;
	s28 =	smov.u32 s23;
	s23 =	sadd.s32 $0x10, s23;
	v1 =	vld [tilespmem:s26+$0x0]  }
0x56: {  	_ =	sdelay $0x1  }
0x57: {  	s28 =	sand.u32 $0x70, s28;
	s29 =	sand.u32 $0x7C00, s22  }
0x58: {  	s28 =	sor.u32 s28, s29;
	v2 =	vld [tilespmem:s24+$0x0]  }
0x59: {  	v3 =	vld [tilespmem:s28+$0x2000];
	v4 =	vshll.u32 v1, $0x3  }
0x5a: {  	v1 =	vand.u32 $0x7F, v1;
	v4 =	vand.u32 $0xFFFFFC00, v4  }
0x5b: {  	v1 =	vor.u32 v1, v4;
	_ =	sdelay $0x2  }
0x5c: {  	v3 =	vmul.f32 v3, v2;
	_ =	sdelay $0x1  }
0x5d: {  	[tilespmem:v1+s19+$0x0] =	vst.idx.add.f32.msk $0xffff, v3  }
0x5e: {  	v3 =	vld [tilespmem:s28+$0x2080];
	_ =	sdelay $0x1  }
0x5f: {  	v4 =	vor.u32 $0x80, v1;
	_ =	sdelay $0x2  }
0x60: {  	v3 =	vmul.f32 v3, v2;
	_ =	sdelay $0x1  }
0x61: {  	[tilespmem:v4+s19+$0x0] =	vst.idx.add.f32.msk $0xffff, v3  }
0x62: {  	v3 =	vld [tilespmem:s28+$0x2100];
	_ =	sdelay $0x1  }
0x63: {  	v4 =	vor.u32 $0x100, v1;
	_ =	sdelay $0x2  }
0x64: {  	v3 =	vmul.f32 v3, v2;
	_ =	sdelay $0x1  }
0x65: {  	[tilespmem:v4+s19+$0x0] =	vst.idx.add.f32.msk $0xffff, v3  }
0x66: {  	v3 =	vld [tilespmem:s28+$0x2180];
	_ =	sdelay $0x1  }
0x67: {  	v4 =	vor.u32 $0x180, v1;
	_ =	sdelay $0x2  }
0x68: {  	v3 =	vmul.f32 v3, v2;
	_ =	sdelay $0x1  }
0x69: {  	[tilespmem:v4+s19+$0x0] =	vst.idx.add.f32.msk $0xffff, v3  }
0x6a: {  	v3 =	vld [tilespmem:s28+$0x2200];
	_ =	sdelay $0x1  }
0x6b: {  	v4 =	vor.u32 $0x200, v1;
	_ =	sdelay $0x2  }
0x6c: {  	v3 =	vmul.f32 v3, v2;
	_ =	sdelay $0x1  }
0x6d: {  	[tilespmem:v4+s19+$0x0] =	vst.idx.add.f32.msk $0xffff, v3  }
0x6e: {  	v3 =	vld [tilespmem:s28+$0x2280];
	_ =	sdelay $0x1  }
0x6f: {  	v4 =	vor.u32 $0x280, v1;
	_ =	sdelay $0x2  }
0x70: {  	v3 =	vmul.f32 v3, v2;
	_ =	sdelay $0x1  }
0x71: {  	[tilespmem:v4+s19+$0x0] =	vst.idx.add.f32.msk $0xffff, v3  }
0x72: {  	v3 =	vld [tilespmem:s28+$0x2300];
	_ =	sdelay $0x1  }
0x73: {  	v4 =	vor.u32 $0x300, v1;
	_ =	sdelay $0x1  }
0x74: {  	s28 =	sand.u32 $0x7, s25  }
0x75: {  	s28 =	sshll.u32 s28, $0x4;
	v3 =	vmul.f32 v3, v2  }
0x76: {  	s28 =	sadd.s32 s28, s22  }
0x77: {  	s28 =	sor.u32 $0x380, s28;
	[tilespmem:v4+s19+$0x0] =	vst.idx.add.f32.msk $0xffff, v3  }
0x78: {  	v3 =	vld [tilespmem:s28+$0x2000];
	_ =	sdelay $0x1  }
.Ltmp1:
0x79: {  	v1 =	vor.u32 $0x380, v1;
	(pc) =	sbr.rel @p0 .LBB2_4-.Ltmp1, $3  }
0x7a: {  	_ =	sdelay $0x1  }
0x7b: {  	v2 =	vmul.f32 v3, v2  }
0x7c: {  	s24 =	sadd.s32 $0x10, s24  }
0x7d: {  	_ =	sdelay $0x3  }
0x7e: {  	[tilespmem:v1+s19+$0x0] =	vst.idx.add.f32.msk $0xffff, v2;
	s22 =	simm.s32 $0x0  }
0x7f: {  	[hbm4b:s7+s22] =	stream.linear.scatter [tilespmem:s19], [sflag:$0x3], $0x4000, $0x38;
	[tilespmem:$0x16000] =	vst v63  }
0x80: {  	_ =	swait.ge [sflag:s14], $0x4000  }
0x81: {  	[sflag:s14] =	ssyncset.done $0x0  }
0x82: {  	[sflag:s14] =	ssyncadd.s32 $0xFFFFC000  }
0x83: {  	[tilespmem:s16], [sflag:$0x1] =	stream.linear.gather [hbm4b:s8+s22], $0x8000, $0x38;
	[tilespmem:$0x16000] =	vst v63  }
0x84: {  	s23 =	sand.u32 $0x70, s22;
	s24 =	sand.u32 $0x3C00, s22;
	_ =	swait.ge [sflag:s20], $0x8000  }
0x85: {  	s23 =	sor.u32 s23, s24;
	[sflag:s20] =	ssyncset.done $0x0  }
0x86: {  	s24 =	sadd.s32 $0x12000, s23;
	[sflag:s20] =	ssyncadd.s32 $0xFFFF8000  }
0x87: {  	[tilespmem:s24+$0x80] =	vst v0  }
0x88: {  	[tilespmem:s24+$0x100] =	vst v0  }
0x89: {  	s25 =	simm.s32 $0x10;
	s26 =	simm.s32 $0x0;
	[tilespmem:s24+$0x180] =	vst v0  }
0x8a: {  	s29 =	simm.s32 $0x0;
	s28 =	simm.s32 $0x0;
	s30 =	sand.u32 $0x7, s22;
	[tilespmem:s24+$0x200] =	vst v0  }
.LBB2_6:
0x8b: {  	p0 =	sne.s32 s25, $0x7F0;
	s30 =	sshll.u32 s30, $0x4;
	[tilespmem:s24+$0x280] =	vst v0;
	s26 =	sadd.s32 $0x80, s26  }
0x8c: {  	s31 =	sand.u32 $0x70, s25;
	s0 =	sand.u32 $0x3C00, s26;
	s29 =	sadd.s32 s30, s29;
	[tilespmem:s24+$0x300] =	vst v0  }
0x8d: {  	[tilespmem:s23+$0x12000] =	vst v0;
	s23 =	sor.u32 s31, s0;
	s0 =	sor.u32 $0x380, s29;
	s29 =	smov.u32 s26  }
.Ltmp2:
0x8e: {  	s24 =	sadd.s32 $0x12000, s23;
	[tilespmem:s0+$0x12000] =	vst v0;
	(pc) =	sbr.rel @p0 .LBB2_6-.Ltmp2, $4  }
0x8f: {  	[tilespmem:s24+$0x80] =	vst v0  }
0x90: {  	[tilespmem:s24+$0x100] =	vst v0  }
0x91: {  	s28 =	sadd.s32 $0x1, s28;
	[tilespmem:s24+$0x180] =	vst v0  }
0x92: {  	s25 =	sadd.s32 $0x10, s25;
	s30 =	sand.u32 $0x7, s28;
	[tilespmem:s24+$0x200] =	vst v0  }
0x93: {  	s0 =	sshll.u32 s30, $0x4;
	[tilespmem:s24+$0x280] =	vst v0  }
0x94: {  	[tilespmem:s24+$0x300] =	vst v0;
	s0 =	sadd.s32 s0, s29  }
0x95: {  	[tilespmem:s23+$0x12000] =	vst v0;
	s0 =	sor.u32 $0x380, s0  }
0x96: {  	[tilespmem:s0+$0x12000] =	vst v0  }
0x97: {  	v1 =	vld [tilespmem:s22+$0x0];
	_ =	sdelay $0x2  }
0x98: {  	s26 =	simm.s32 $0x1000;
	s28 =	sand.u32 $0x70, s22;
	s29 =	sand.u32 $0x7C00, s22  }
0x99: {  	s30 =	sor.u32 s28, s29;
	v2 =	vld [tilespmem:s26+$0x0]  }
0x9a: {  	v3 =	vld [tilespmem:s30+$0xA000];
	v4 =	vshll.u32 v1, $0x3  }
0x9b: {  	v1 =	vand.u32 $0x7F, v1;
	v4 =	vand.u32 $0xFFFFFC00, v4  }
0x9c: {  	v1 =	vor.u32 v1, v4;
	_ =	sdelay $0x2  }
0x9d: {  	v3 =	vmul.f32 v3, v2;
	_ =	sdelay $0x1  }
0x9e: {  	[tilespmem:v1+s19+$0x0] =	vst.idx.add.f32.msk $0xffff, v3  }
0x9f: {  	v3 =	vld [tilespmem:s30+$0xA080];
	_ =	sdelay $0x1  }
0xa0: {  	v4 =	vor.u32 $0x80, v1;
	_ =	sdelay $0x2  }
0xa1: {  	v3 =	vmul.f32 v3, v2;
	_ =	sdelay $0x1  }
0xa2: {  	[tilespmem:v4+s19+$0x0] =	vst.idx.add.f32.msk $0xffff, v3  }
0xa3: {  	v3 =	vld [tilespmem:s30+$0xA100];
	_ =	sdelay $0x1  }
0xa4: {  	v59 =	vor.u32 $0x100, v1;
	_ =	sdelay $0x2  }
0xa5: {  	v3 =	vmul.f32 v3, v2;
	_ =	sdelay $0x1  }
0xa6: {  	[tilespmem:v59+s19+$0x0] =	vst.idx.add.f32.msk $0xffff, v3  }
0xa7: {  	v3 =	vld [tilespmem:s30+$0xA180];
	_ =	sdelay $0x1  }
0xa8: {  	v60 =	vor.u32 $0x180, v1;
	_ =	sdelay $0x2  }
0xa9: {  	v3 =	vmul.f32 v3, v2;
	_ =	sdelay $0x1  }
0xaa: {  	[tilespmem:v60+s19+$0x0] =	vst.idx.add.f32.msk $0xffff, v3  }
0xab: {  	v3 =	vld [tilespmem:s30+$0xA200];
	_ =	sdelay $0x1  }
0xac: {  	v61 =	vor.u32 $0x200, v1;
	_ =	sdelay $0x2  }
0xad: {  	v3 =	vmul.f32 v3, v2;
	_ =	sdelay $0x1  }
0xae: {  	[tilespmem:v61+s19+$0x0] =	vst.idx.add.f32.msk $0xffff, v3  }
0xaf: {  	v3 =	vld [tilespmem:s30+$0xA280];
	_ =	sdelay $0x1  }
0xb0: {  	v62 =	vor.u32 $0x280, v1;
	_ =	sdelay $0x2  }
0xb1: {  	v3 =	vmul.f32 v3, v2;
	_ =	sdelay $0x1  }
0xb2: {  	[tilespmem:v62+s19+$0x0] =	vst.idx.add.f32.msk $0xffff, v3  }
0xb3: {  	v3 =	vld [tilespmem:s30+$0xA300];
	_ =	sdelay $0x1  }
0xb4: {  	v63 =	vor.u32 $0x300, v1;
	_ =	sdelay $0x1  }
0xb5: {  	s31 =	sand.u32 $0x7, s22  }
0xb6: {  	s0 =	sshll.u32 s31, $0x4;
	v3 =	vmul.f32 v3, v2  }
0xb7: {  	s0 =	sadd.s32 $0x0, s0  }
0xb8: {  	s0 =	sor.u32 $0x380, s0;
	[tilespmem:v63+s19+$0x0] =	vst.idx.add.f32.msk $0xffff, v3  }
0xb9: {  	v3 =	vld [tilespmem:s0+$0xA000];
	_ =	sdelay $0x1  }
0xba: {  	v1 =	vor.u32 $0x380, v1;
	_ =	sdelay $0x2  }
0xbb: {  	s23 =	simm.s32 $0x10;
	v2 =	vmul.f32 v3, v2  }
0xbc: {  	s24 =	simm.s32 $0x1010;
	s25 =	simm.s32 $0x0;
	s26 =	simm.s32 $0x0  }
.LBB2_8:
0xbd: {  	[tilespmem:v1+s19+$0x0] =	vst.idx.add.f32.msk $0xffff, v2;
	s22 =	sadd.s32 $0x80, s22;
	s25 =	sadd.s32 $0x1, s25;
	s26 =	sadd.s32 $0x10, s26  }
0xbe: {  	p0 =	sne.s32 s23, $0xFF0;
	s0 =	smov.u32 s23;
	s23 =	sadd.s32 $0x10, s23;
	v1 =	vld [tilespmem:s26+$0x0]  }
0xbf: {  	_ =	sdelay $0x1  }
0xc0: {  	s0 =	sand.u32 $0x70, s0;
	s28 =	sand.u32 $0x7C00, s22  }
0xc1: {  	s28 =	sor.u32 s0, s28;
	v2 =	vld [tilespmem:s24+$0x0]  }
0xc2: {  	v3 =	vld [tilespmem:s28+$0xA000];
	v4 =	vshll.u32 v1, $0x3  }
0xc3: {  	v1 =	vand.u32 $0x7F, v1;
	v4 =	vand.u32 $0xFFFFFC00, v4  }
0xc4: {  	v1 =	vor.u32 v1, v4;
	_ =	sdelay $0x2  }
0xc5: {  	v3 =	vmul.f32 v3, v2;
	_ =	sdelay $0x1  }
0xc6: {  	[tilespmem:v1+s19+$0x0] =	vst.idx.add.f32.msk $0xffff, v3  }
0xc7: {  	v3 =	vld [tilespmem:s28+$0xA080];
	_ =	sdelay $0x1  }
0xc8: {  	v4 =	vor.u32 $0x80, v1;
	_ =	sdelay $0x2  }
0xc9: {  	v3 =	vmul.f32 v3, v2;
	_ =	sdelay $0x1  }
0xca: {  	[tilespmem:v4+s19+$0x0] =	vst.idx.add.f32.msk $0xffff, v3  }
0xcb: {  	v3 =	vld [tilespmem:s28+$0xA100];
	_ =	sdelay $0x1  }
0xcc: {  	v4 =	vor.u32 $0x100, v1;
	_ =	sdelay $0x2  }
0xcd: {  	v3 =	vmul.f32 v3, v2;
	_ =	sdelay $0x1  }
0xce: {  	[tilespmem:v4+s19+$0x0] =	vst.idx.add.f32.msk $0xffff, v3  }
0xcf: {  	v3 =	vld [tilespmem:s28+$0xA180];
	_ =	sdelay $0x1  }
0xd0: {  	v4 =	vor.u32 $0x180, v1;
	_ =	sdelay $0x2  }
0xd1: {  	v3 =	vmul.f32 v3, v2;
	_ =	sdelay $0x1  }
0xd2: {  	[tilespmem:v4+s19+$0x0] =	vst.idx.add.f32.msk $0xffff, v3  }
0xd3: {  	v3 =	vld [tilespmem:s28+$0xA200];
	_ =	sdelay $0x1  }
0xd4: {  	v4 =	vor.u32 $0x200, v1;
	_ =	sdelay $0x2  }
0xd5: {  	v3 =	vmul.f32 v3, v2;
	_ =	sdelay $0x1  }
0xd6: {  	[tilespmem:v4+s19+$0x0] =	vst.idx.add.f32.msk $0xffff, v3  }
0xd7: {  	v3 =	vld [tilespmem:s28+$0xA280];
	_ =	sdelay $0x1  }
0xd8: {  	v4 =	vor.u32 $0x280, v1;
	_ =	sdelay $0x2  }
0xd9: {  	v3 =	vmul.f32 v3, v2;
	_ =	sdelay $0x1  }
0xda: {  	[tilespmem:v4+s19+$0x0] =	vst.idx.add.f32.msk $0xffff, v3  }
0xdb: {  	v3 =	vld [tilespmem:s28+$0xA300];
	_ =	sdelay $0x1  }
0xdc: {  	v4 =	vor.u32 $0x300, v1;
	_ =	sdelay $0x1  }
0xdd: {  	s0 =	sand.u32 $0x7, s25  }
0xde: {  	s0 =	sshll.u32 s0, $0x4;
	v3 =	vmul.f32 v3, v2  }
0xdf: {  	s0 =	sadd.s32 s0, s22  }
0xe0: {  	s0 =	sor.u32 $0x380, s0;
	[tilespmem:v4+s19+$0x0] =	vst.idx.add.f32.msk $0xffff, v3  }
0xe1: {  	v3 =	vld [tilespmem:s0+$0xA000];
	_ =	sdelay $0x1  }
.Ltmp3:
0xe2: {  	v1 =	vor.u32 $0x380, v1;
	(pc) =	sbr.rel @p0 .LBB2_8-.Ltmp3, $3  }
0xe3: {  	_ =	sdelay $0x1  }
0xe4: {  	v2 =	vmul.f32 v3, v2  }
0xe5: {  	s24 =	sadd.s32 $0x10, s24  }
0xe6: {  	_ =	sdelay $0x3  }
0xe7: {  	[tilespmem:v1+s19+$0x0] =	vst.idx.add.f32.msk $0xffff, v2;
	s22 =	simm.s32 $0x0  }
0xe8: {  	[hbm4b:s9+s22] =	stream.linear.scatter [tilespmem:s19], [sflag:$0x3], $0x4000, $0x38;
	[tilespmem:$0x16000] =	vst v63  }
0xe9: {  	_ =	swait.ge [sflag:s14], $0x4000  }
0xea: {  	[sflag:s14] =	ssyncset.done $0x0  }
0xeb: {  	[sflag:s14] =	ssyncadd.s32 $0xFFFFC000  }
0xec: {  	[tilespmem:s17], [sflag:$0x2] =	stream.linear.gather [hbm4b:s10+s22], $0x8000, $0x38;
	[tilespmem:$0x16000] =	vst v63  }
0xed: {  	s0 =	sand.u32 $0x70, s22;
	s23 =	sand.u32 $0x3C00, s22;
	_ =	swait.ge [sflag:s18], $0x8000  }
0xee: {  	s23 =	sor.u32 s0, s23;
	[sflag:s18] =	ssyncset.done $0x0  }
0xef: {  	s24 =	sadd.s32 $0x12000, s23;
	[sflag:s18] =	ssyncadd.s32 $0xFFFF8000  }
0xf0: {  	[tilespmem:s24+$0x80] =	vst v0  }
0xf1: {  	[tilespmem:s24+$0x100] =	vst v0  }
0xf2: {  	s25 =	simm.s32 $0x10;
	s26 =	simm.s32 $0x0;
	[tilespmem:s24+$0x180] =	vst v0  }
0xf3: {  	s29 =	simm.s32 $0x0;
	s28 =	simm.s32 $0x0;
	s30 =	sand.u32 $0x7, s22;
	[tilespmem:s24+$0x200] =	vst v0  }
.LBB2_10:
0xf4: {  	p0 =	sne.s32 s25, $0x7F0;
	s0 =	sshll.u32 s30, $0x4;
	[tilespmem:s24+$0x280] =	vst v0;
	s26 =	sadd.s32 $0x80, s26  }
0xf5: {  	s30 =	sand.u32 $0x70, s25;
	s31 =	sand.u32 $0x3C00, s26;
	s0 =	sadd.s32 s0, s29;
	[tilespmem:s24+$0x300] =	vst v0  }
0xf6: {  	s29 =	smov.u32 s26;
	[tilespmem:s23+$0x12000] =	vst v0;
	s23 =	sor.u32 s30, s31;
	s0 =	sor.u32 $0x380, s0  }
.Ltmp4:
0xf7: {  	s24 =	sadd.s32 $0x12000, s23;
	[tilespmem:s0+$0x12000] =	vst v0;
	(pc) =	sbr.rel @p0 .LBB2_10-.Ltmp4, $4  }
0xf8: {  	[tilespmem:s24+$0x80] =	vst v0  }
0xf9: {  	[tilespmem:s24+$0x100] =	vst v0  }
0xfa: {  	s28 =	sadd.s32 $0x1, s28;
	[tilespmem:s24+$0x180] =	vst v0  }
0xfb: {  	s25 =	sadd.s32 $0x10, s25;
	s30 =	sand.u32 $0x7, s28;
	[tilespmem:s24+$0x200] =	vst v0  }
0xfc: {  	s0 =	sshll.u32 s30, $0x4;
	[tilespmem:s24+$0x280] =	vst v0  }
0xfd: {  	[tilespmem:s24+$0x300] =	vst v0;
	s0 =	sadd.s32 s0, s29  }
0xfe: {  	[tilespmem:s23+$0x12000] =	vst v0;
	s0 =	sor.u32 $0x380, s0  }
0xff: {  	[tilespmem:s0+$0x12000] =	vst v0  }
0x100: {  	v1 =	vld [tilespmem:s22+$0x0];
	_ =	sdelay $0x2  }
0x101: {  	s26 =	simm.s32 $0x1000;
	s28 =	sand.u32 $0x70, s22;
	s29 =	sand.u32 $0x7C00, s22  }
0x102: {  	s30 =	sor.u32 s28, s29;
	v2 =	vld [tilespmem:s26+$0x0]  }
0x103: {  	v3 =	vld [tilespmem:s30+$0x2000];
	v4 =	vshll.u32 v1, $0x3  }
0x104: {  	v1 =	vand.u32 $0x7F, v1;
	v4 =	vand.u32 $0xFFFFFC00, v4  }
0x105: {  	v1 =	vor.u32 v1, v4;
	_ =	sdelay $0x2  }
0x106: {  	v3 =	vmul.f32 v3, v2;
	_ =	sdelay $0x1  }
0x107: {  	[tilespmem:v1+s19+$0x0] =	vst.idx.add.f32.msk $0xffff, v3  }
0x108: {  	v3 =	vld [tilespmem:s30+$0x2080];
	_ =	sdelay $0x1  }
0x109: {  	v4 =	vor.u32 $0x80, v1;
	_ =	sdelay $0x2  }
0x10a: {  	v3 =	vmul.f32 v3, v2;
	_ =	sdelay $0x1  }
0x10b: {  	[tilespmem:v4+s19+$0x0] =	vst.idx.add.f32.msk $0xffff, v3  }
0x10c: {  	v3 =	vld [tilespmem:s30+$0x2100];
	_ =	sdelay $0x1  }
0x10d: {  	v59 =	vor.u32 $0x100, v1;
	_ =	sdelay $0x2  }
0x10e: {  	v3 =	vmul.f32 v3, v2;
	_ =	sdelay $0x1  }
0x10f: {  	[tilespmem:v59+s19+$0x0] =	vst.idx.add.f32.msk $0xffff, v3  }
0x110: {  	v3 =	vld [tilespmem:s30+$0x2180];
	_ =	sdelay $0x1  }
0x111: {  	v60 =	vor.u32 $0x180, v1;
	_ =	sdelay $0x2  }
0x112: {  	v3 =	vmul.f32 v3, v2;
	_ =	sdelay $0x1  }
0x113: {  	[tilespmem:v60+s19+$0x0] =	vst.idx.add.f32.msk $0xffff, v3  }
0x114: {  	v3 =	vld [tilespmem:s30+$0x2200];
	_ =	sdelay $0x1  }
0x115: {  	v61 =	vor.u32 $0x200, v1;
	_ =	sdelay $0x2  }
0x116: {  	v3 =	vmul.f32 v3, v2;
	_ =	sdelay $0x1  }
0x117: {  	[tilespmem:v61+s19+$0x0] =	vst.idx.add.f32.msk $0xffff, v3  }
0x118: {  	v3 =	vld [tilespmem:s30+$0x2280];
	_ =	sdelay $0x1  }
0x119: {  	v62 =	vor.u32 $0x280, v1;
	_ =	sdelay $0x2  }
0x11a: {  	v3 =	vmul.f32 v3, v2;
	_ =	sdelay $0x1  }
0x11b: {  	[tilespmem:v62+s19+$0x0] =	vst.idx.add.f32.msk $0xffff, v3  }
0x11c: {  	v3 =	vld [tilespmem:s30+$0x2300];
	_ =	sdelay $0x1  }
0x11d: {  	v63 =	vor.u32 $0x300, v1;
	_ =	sdelay $0x1  }
0x11e: {  	s31 =	sand.u32 $0x7, s22  }
0x11f: {  	s0 =	sshll.u32 s31, $0x4;
	v3 =	vmul.f32 v3, v2  }
0x120: {  	s0 =	sadd.s32 $0x0, s0  }
0x121: {  	s0 =	sor.u32 $0x380, s0;
	[tilespmem:v63+s19+$0x0] =	vst.idx.add.f32.msk $0xffff, v3  }
0x122: {  	v3 =	vld [tilespmem:s0+$0x2000];
	_ =	sdelay $0x1  }
0x123: {  	v1 =	vor.u32 $0x380, v1;
	_ =	sdelay $0x2  }
0x124: {  	s23 =	simm.s32 $0x10;
	v2 =	vmul.f32 v3, v2  }
0x125: {  	s24 =	simm.s32 $0x1010;
	s25 =	simm.s32 $0x0;
	s26 =	simm.s32 $0x0  }
.LBB2_12:
0x126: {  	[tilespmem:v1+s19+$0x0] =	vst.idx.add.f32.msk $0xffff, v2;
	s22 =	sadd.s32 $0x80, s22;
	s25 =	sadd.s32 $0x1, s25;
	s26 =	sadd.s32 $0x10, s26  }
0x127: {  	p0 =	sne.s32 s23, $0xFF0;
	s0 =	smov.u32 s23;
	s23 =	sadd.s32 $0x10, s23;
	v1 =	vld [tilespmem:s26+$0x0]  }
0x128: {  	_ =	sdelay $0x1  }
0x129: {  	s0 =	sand.u32 $0x70, s0;
	s28 =	sand.u32 $0x7C00, s22  }
0x12a: {  	s28 =	sor.u32 s0, s28;
	v2 =	vld [tilespmem:s24+$0x0]  }
0x12b: {  	v3 =	vld [tilespmem:s28+$0x2000];
	v4 =	vshll.u32 v1, $0x3  }
0x12c: {  	v1 =	vand.u32 $0x7F, v1;
	v4 =	vand.u32 $0xFFFFFC00, v4  }
0x12d: {  	v1 =	vor.u32 v1, v4;
	_ =	sdelay $0x2  }
0x12e: {  	v3 =	vmul.f32 v3, v2;
	_ =	sdelay $0x1  }
0x12f: {  	[tilespmem:v1+s19+$0x0] =	vst.idx.add.f32.msk $0xffff, v3  }
0x130: {  	v3 =	vld [tilespmem:s28+$0x2080];
	_ =	sdelay $0x1  }
0x131: {  	v4 =	vor.u32 $0x80, v1;
	_ =	sdelay $0x2  }
0x132: {  	v3 =	vmul.f32 v3, v2;
	_ =	sdelay $0x1  }
0x133: {  	[tilespmem:v4+s19+$0x0] =	vst.idx.add.f32.msk $0xffff, v3  }
0x134: {  	v3 =	vld [tilespmem:s28+$0x2100];
	_ =	sdelay $0x1  }
0x135: {  	v4 =	vor.u32 $0x100, v1;
	_ =	sdelay $0x2  }
0x136: {  	v3 =	vmul.f32 v3, v2;
	_ =	sdelay $0x1  }
0x137: {  	[tilespmem:v4+s19+$0x0] =	vst.idx.add.f32.msk $0xffff, v3  }
0x138: {  	v3 =	vld [tilespmem:s28+$0x2180];
	_ =	sdelay $0x1  }
0x139: {  	v4 =	vor.u32 $0x180, v1;
	_ =	sdelay $0x2  }
0x13a: {  	v3 =	vmul.f32 v3, v2;
	_ =	sdelay $0x1  }
0x13b: {  	[tilespmem:v4+s19+$0x0] =	vst.idx.add.f32.msk $0xffff, v3  }
0x13c: {  	v3 =	vld [tilespmem:s28+$0x2200];
	_ =	sdelay $0x1  }
0x13d: {  	v4 =	vor.u32 $0x200, v1;
	_ =	sdelay $0x2  }
0x13e: {  	v3 =	vmul.f32 v3, v2;
	_ =	sdelay $0x1  }
0x13f: {  	[tilespmem:v4+s19+$0x0] =	vst.idx.add.f32.msk $0xffff, v3  }
0x140: {  	v3 =	vld [tilespmem:s28+$0x2280];
	_ =	sdelay $0x1  }
0x141: {  	v4 =	vor.u32 $0x280, v1;
	_ =	sdelay $0x2  }
0x142: {  	v3 =	vmul.f32 v3, v2;
	_ =	sdelay $0x1  }
0x143: {  	[tilespmem:v4+s19+$0x0] =	vst.idx.add.f32.msk $0xffff, v3  }
0x144: {  	v3 =	vld [tilespmem:s28+$0x2300];
	_ =	sdelay $0x1  }
0x145: {  	v4 =	vor.u32 $0x300, v1;
	_ =	sdelay $0x1  }
0x146: {  	s0 =	sand.u32 $0x7, s25  }
0x147: {  	s0 =	sshll.u32 s0, $0x4;
	v3 =	vmul.f32 v3, v2  }
0x148: {  	s0 =	sadd.s32 s0, s22  }
0x149: {  	s0 =	sor.u32 $0x380, s0;
	[tilespmem:v4+s19+$0x0] =	vst.idx.add.f32.msk $0xffff, v3  }
0x14a: {  	v3 =	vld [tilespmem:s0+$0x2000];
	_ =	sdelay $0x1  }
.Ltmp5:
0x14b: {  	v1 =	vor.u32 $0x380, v1;
	(pc) =	sbr.rel @p0 .LBB2_12-.Ltmp5, $3  }
0x14c: {  	_ =	sdelay $0x1  }
0x14d: {  	v2 =	vmul.f32 v3, v2  }
0x14e: {  	s24 =	sadd.s32 $0x10, s24  }
0x14f: {  	_ =	sdelay $0x3  }
0x150: {  	[tilespmem:v1+s19+$0x0] =	vst.idx.add.f32.msk $0xffff, v2;
	s22 =	simm.s32 $0x0  }
0x151: {  	[hbm4b:s11+s22] =	stream.linear.scatter [tilespmem:s19], [sflag:$0x3], $0x4000, $0x38;
	[tilespmem:$0x16000] =	vst v63  }
0x152: {  	_ =	swait.ge [sflag:s14], $0x4000  }
0x153: {  	[sflag:s14] =	ssyncset.done $0x0  }
0x154: {  	[sflag:s14] =	ssyncadd.s32 $0xFFFFC000  }
0x155: {  	s0 =	sand.u32 $0x70, s22;
	s23 =	sand.u32 $0x3C00, s22;
	_ =	swait.ge [sflag:s20], $0x8000  }
0x156: {  	s23 =	sor.u32 s0, s23;
	[sflag:s20] =	ssyncset.done $0x0  }
0x157: {  	s24 =	sadd.s32 $0x12000, s23;
	[sflag:s20] =	ssyncadd.s32 $0xFFFF8000  }
0x158: {  	[tilespmem:s24+$0x80] =	vst v0  }
0x159: {  	[tilespmem:s24+$0x100] =	vst v0  }
0x15a: {  	s25 =	simm.s32 $0x10;
	s26 =	simm.s32 $0x0;
	[tilespmem:s24+$0x180] =	vst v0  }
0x15b: {  	s29 =	simm.s32 $0x0;
	s28 =	simm.s32 $0x0;
	s30 =	sand.u32 $0x7, s22;
	[tilespmem:s24+$0x200] =	vst v0  }
.LBB2_14:
0x15c: {  	p0 =	sne.s32 s25, $0x7F0;
	s0 =	sshll.u32 s30, $0x4;
	[tilespmem:s24+$0x280] =	vst v0;
	s26 =	sadd.s32 $0x80, s26  }
0x15d: {  	s30 =	sand.u32 $0x70, s25;
	s31 =	sand.u32 $0x3C00, s26;
	s0 =	sadd.s32 s0, s29;
	[tilespmem:s24+$0x300] =	vst v0  }
0x15e: {  	s29 =	smov.u32 s26;
	[tilespmem:s23+$0x12000] =	vst v0;
	s23 =	sor.u32 s30, s31;
	s0 =	sor.u32 $0x380, s0  }
.Ltmp6:
0x15f: {  	s24 =	sadd.s32 $0x12000, s23;
	[tilespmem:s0+$0x12000] =	vst v0;
	(pc) =	sbr.rel @p0 .LBB2_14-.Ltmp6, $4  }
0x160: {  	[tilespmem:s24+$0x80] =	vst v0  }
0x161: {  	[tilespmem:s24+$0x100] =	vst v0  }
0x162: {  	s28 =	sadd.s32 $0x1, s28;
	[tilespmem:s24+$0x180] =	vst v0  }
0x163: {  	s25 =	sadd.s32 $0x10, s25;
	s30 =	sand.u32 $0x7, s28;
	[tilespmem:s24+$0x200] =	vst v0  }
0x164: {  	s0 =	sshll.u32 s30, $0x4;
	[tilespmem:s24+$0x280] =	vst v0  }
0x165: {  	[tilespmem:s24+$0x300] =	vst v0;
	s0 =	sadd.s32 s0, s29  }
0x166: {  	[tilespmem:s23+$0x12000] =	vst v0;
	s0 =	sor.u32 $0x380, s0  }
0x167: {  	[tilespmem:s0+$0x12000] =	vst v0  }
0x168: {  	v1 =	vld [tilespmem:s22+$0x0];
	_ =	sdelay $0x2  }
0x169: {  	s26 =	simm.s32 $0x1000;
	s28 =	sand.u32 $0x70, s22;
	s29 =	sand.u32 $0x7C00, s22  }
0x16a: {  	s30 =	sor.u32 s28, s29;
	v2 =	vld [tilespmem:s26+$0x0]  }
0x16b: {  	v3 =	vld [tilespmem:s30+$0xA000];
	v4 =	vshll.u32 v1, $0x3  }
0x16c: {  	v1 =	vand.u32 $0x7F, v1;
	v4 =	vand.u32 $0xFFFFFC00, v4  }
0x16d: {  	v1 =	vor.u32 v1, v4;
	_ =	sdelay $0x2  }
0x16e: {  	v3 =	vmul.f32 v3, v2;
	_ =	sdelay $0x1  }
0x16f: {  	[tilespmem:v1+s19+$0x0] =	vst.idx.add.f32.msk $0xffff, v3  }
0x170: {  	v3 =	vld [tilespmem:s30+$0xA080];
	_ =	sdelay $0x1  }
0x171: {  	v4 =	vor.u32 $0x80, v1;
	_ =	sdelay $0x2  }
0x172: {  	v3 =	vmul.f32 v3, v2;
	_ =	sdelay $0x1  }
0x173: {  	[tilespmem:v4+s19+$0x0] =	vst.idx.add.f32.msk $0xffff, v3  }
0x174: {  	v3 =	vld [tilespmem:s30+$0xA100];
	_ =	sdelay $0x1  }
0x175: {  	v59 =	vor.u32 $0x100, v1;
	_ =	sdelay $0x2  }
0x176: {  	v3 =	vmul.f32 v3, v2;
	_ =	sdelay $0x1  }
0x177: {  	[tilespmem:v59+s19+$0x0] =	vst.idx.add.f32.msk $0xffff, v3  }
0x178: {  	v3 =	vld [tilespmem:s30+$0xA180];
	_ =	sdelay $0x1  }
0x179: {  	v60 =	vor.u32 $0x180, v1;
	_ =	sdelay $0x2  }
0x17a: {  	v3 =	vmul.f32 v3, v2;
	_ =	sdelay $0x1  }
0x17b: {  	[tilespmem:v60+s19+$0x0] =	vst.idx.add.f32.msk $0xffff, v3  }
0x17c: {  	v3 =	vld [tilespmem:s30+$0xA200];
	_ =	sdelay $0x1  }
0x17d: {  	v61 =	vor.u32 $0x200, v1;
	_ =	sdelay $0x2  }
0x17e: {  	v3 =	vmul.f32 v3, v2;
	_ =	sdelay $0x1  }
0x17f: {  	[tilespmem:v61+s19+$0x0] =	vst.idx.add.f32.msk $0xffff, v3  }
0x180: {  	v3 =	vld [tilespmem:s30+$0xA280];
	_ =	sdelay $0x1  }
0x181: {  	v62 =	vor.u32 $0x280, v1;
	_ =	sdelay $0x2  }
0x182: {  	v3 =	vmul.f32 v3, v2;
	_ =	sdelay $0x1  }
0x183: {  	[tilespmem:v62+s19+$0x0] =	vst.idx.add.f32.msk $0xffff, v3  }
0x184: {  	v3 =	vld [tilespmem:s30+$0xA300];
	_ =	sdelay $0x1  }
0x185: {  	v63 =	vor.u32 $0x300, v1;
	_ =	sdelay $0x1  }
0x186: {  	s31 =	sand.u32 $0x7, s22  }
0x187: {  	s0 =	sshll.u32 s31, $0x4;
	v3 =	vmul.f32 v3, v2  }
0x188: {  	s0 =	sadd.s32 $0x0, s0  }
0x189: {  	s0 =	sor.u32 $0x380, s0;
	[tilespmem:v63+s19+$0x0] =	vst.idx.add.f32.msk $0xffff, v3  }
0x18a: {  	v3 =	vld [tilespmem:s0+$0xA000];
	_ =	sdelay $0x1  }
0x18b: {  	v1 =	vor.u32 $0x380, v1;
	_ =	sdelay $0x2  }
0x18c: {  	s23 =	simm.s32 $0x10;
	v2 =	vmul.f32 v3, v2  }
0x18d: {  	s24 =	simm.s32 $0x1010;
	s25 =	simm.s32 $0x0;
	s26 =	simm.s32 $0x0  }
.LBB2_16:
0x18e: {  	[tilespmem:v1+s19+$0x0] =	vst.idx.add.f32.msk $0xffff, v2;
	s22 =	sadd.s32 $0x80, s22;
	s25 =	sadd.s32 $0x1, s25;
	s26 =	sadd.s32 $0x10, s26  }
0x18f: {  	p0 =	sne.s32 s23, $0xFF0;
	s0 =	smov.u32 s23;
	s23 =	sadd.s32 $0x10, s23;
	v1 =	vld [tilespmem:s26+$0x0]  }
0x190: {  	_ =	sdelay $0x1  }
0x191: {  	s0 =	sand.u32 $0x70, s0;
	s28 =	sand.u32 $0x7C00, s22  }
0x192: {  	s28 =	sor.u32 s0, s28;
	v2 =	vld [tilespmem:s24+$0x0]  }
0x193: {  	v3 =	vld [tilespmem:s28+$0xA000];
	v4 =	vshll.u32 v1, $0x3  }
0x194: {  	v1 =	vand.u32 $0x7F, v1;
	v4 =	vand.u32 $0xFFFFFC00, v4  }
0x195: {  	v1 =	vor.u32 v1, v4;
	_ =	sdelay $0x2  }
0x196: {  	v3 =	vmul.f32 v3, v2;
	_ =	sdelay $0x1  }
0x197: {  	[tilespmem:v1+s19+$0x0] =	vst.idx.add.f32.msk $0xffff, v3  }
0x198: {  	v3 =	vld [tilespmem:s28+$0xA080];
	_ =	sdelay $0x1  }
0x199: {  	v4 =	vor.u32 $0x80, v1;
	_ =	sdelay $0x2  }
0x19a: {  	v3 =	vmul.f32 v3, v2;
	_ =	sdelay $0x1  }
0x19b: {  	[tilespmem:v4+s19+$0x0] =	vst.idx.add.f32.msk $0xffff, v3  }
0x19c: {  	v3 =	vld [tilespmem:s28+$0xA100];
	_ =	sdelay $0x1  }
0x19d: {  	v4 =	vor.u32 $0x100, v1;
	_ =	sdelay $0x2  }
0x19e: {  	v3 =	vmul.f32 v3, v2;
	_ =	sdelay $0x1  }
0x19f: {  	[tilespmem:v4+s19+$0x0] =	vst.idx.add.f32.msk $0xffff, v3  }
0x1a0: {  	v3 =	vld [tilespmem:s28+$0xA180];
	_ =	sdelay $0x1  }
0x1a1: {  	v4 =	vor.u32 $0x180, v1;
	_ =	sdelay $0x2  }
0x1a2: {  	v3 =	vmul.f32 v3, v2;
	_ =	sdelay $0x1  }
0x1a3: {  	[tilespmem:v4+s19+$0x0] =	vst.idx.add.f32.msk $0xffff, v3  }
0x1a4: {  	v3 =	vld [tilespmem:s28+$0xA200];
	_ =	sdelay $0x1  }
0x1a5: {  	v4 =	vor.u32 $0x200, v1;
	_ =	sdelay $0x2  }
0x1a6: {  	v3 =	vmul.f32 v3, v2;
	_ =	sdelay $0x1  }
0x1a7: {  	[tilespmem:v4+s19+$0x0] =	vst.idx.add.f32.msk $0xffff, v3  }
0x1a8: {  	v3 =	vld [tilespmem:s28+$0xA280];
	_ =	sdelay $0x1  }
0x1a9: {  	v4 =	vor.u32 $0x280, v1;
	_ =	sdelay $0x2  }
0x1aa: {  	v3 =	vmul.f32 v3, v2;
	_ =	sdelay $0x1  }
0x1ab: {  	[tilespmem:v4+s19+$0x0] =	vst.idx.add.f32.msk $0xffff, v3  }
0x1ac: {  	v3 =	vld [tilespmem:s28+$0xA300];
	_ =	sdelay $0x1  }
0x1ad: {  	v4 =	vor.u32 $0x300, v1;
	_ =	sdelay $0x1  }
0x1ae: {  	s0 =	sand.u32 $0x7, s25  }
0x1af: {  	s0 =	sshll.u32 s0, $0x4;
	v3 =	vmul.f32 v3, v2  }
0x1b0: {  	s0 =	sadd.s32 s0, s22  }
0x1b1: {  	s0 =	sor.u32 $0x380, s0;
	[tilespmem:v4+s19+$0x0] =	vst.idx.add.f32.msk $0xffff, v3  }
0x1b2: {  	v3 =	vld [tilespmem:s0+$0xA000];
	_ =	sdelay $0x1  }
.Ltmp7:
0x1b3: {  	v1 =	vor.u32 $0x380, v1;
	(pc) =	sbr.rel @p0 .LBB2_16-.Ltmp7, $3  }
0x1b4: {  	_ =	sdelay $0x1  }
0x1b5: {  	v2 =	vmul.f32 v3, v2  }
0x1b6: {  	s24 =	sadd.s32 $0x10, s24  }
0x1b7: {  	_ =	sdelay $0x1  }
0x1b8: {  	s21 =	sadd.s32 $0x1, s21  }
0x1b9: {  	p0 =	sne.s32 s21, s13  }
.Ltmp8:
0x1ba: {  	[tilespmem:v1+s19+$0x0] =	vst.idx.add.f32.msk $0xffff, v2;
	(pc) =	sbr.rel @p0 .LBB2_1-.Ltmp8, $4  }
0x1bb: {  	[hbm4b:s12+s4] =	stream.linear.scatter [tilespmem:s19], [sflag:$0x3], $0x4000, $0x38;
	[tilespmem:$0x16000] =	vst v63  }
0x1bc: {  	_ =	swait.ge [sflag:s14], $0x4000  }
0x1bd: {  	[sflag:s14] =	ssyncset.done $0x0  }
0x1be: {  	[sflag:s14] =	ssyncadd.s32 $0xFFFFC000  }
0x1bf: {  	_ =	sfence.sel $0x180000  }
0x1c0: {  	[bflag:$0x0] =	sbarrier.arrive $0xFFFF  }
0x1c1: {  	_ =	strace $0x90000047  }
0x1c2: {  	[bflag:$0x2] =	sbarrier.arrive $0xFFFF  }
0x1c3: {  	p0 =	sne.s32 s3, $0x0;
	s0 =	rddreg [dreg:$0x4]  }
0x1c4: {  	s0 =	sadd.s32 @!p0 $0x100000, s0  }
0x1c5: {  	[sflag:s0] =	ssyncadd.tile.s32 @!p0 $0x1;
	_ =	shalt  }
.Lfunc_end2:
_tile_overlayer_lowered:
.L_overlay_start_2:
0x1c6: {  	(tag) =	ssettag $0x2  }
0x1c7: {  	s0 =	rddreg [dreg:$0x0];
	s2 =	stileid.u32  }
0x1c8: {  	s1 =	rddreg [dreg:$0x1];
	p0 =	sne.s32 s2, $0x0  }
0x1c9: {  	s3 =	rddreg [dreg:$0x2];
	[bflag:$0x3] =	sbarrier.arrive $0xFFFF;
	s2 =	simm.s32 @!p0 $0x1C03  }
0x1ca: {  	[timem:s3], [sflag:s2] =	dma.local @!p0 [hbm:s0], s1  }
0x1cb: {  	s0 =	simm.s32 @!p0 $0x3  }
0x1cc: {  	_ =	swait.ge @!p0 [sflag:s0], s1  }
0x1cd: {  	s1 =	ssub.s32 @!p0 $0x0, s1;
	[sflag:s0] =	ssyncset.done @!p0 $0x0  }
0x1ce: {  	[sflag:s0] =	ssyncadd.s32 @!p0 s1  }
0x1cf: {  	[bflag:$0x3] =	sbarrier.arrive $0xFFFF  }
0x1d0: {  	_ =	shalt  }

</sc_bundles>
